<compile_context>
chip_gen: v7x
topology: tpu7x:2x2x1
jax: 0.10.2.dev20260603
libtpu: 0.0.44.dev20260713+nightly
codegen_flags: <defaults>
</compile_context>

<pallas_src>
import functools

import jax
import jax.numpy as jnp
from jax import lax
from jax.experimental import pallas as pl
from jax.experimental.pallas import tpu as pltpu
from jax.experimental.pallas import tpu_sc as plsc

B = 4096
L = 50
D = 64
NL = 16
NW = 32
BPW = B // NW
CB = 8
NCHUNK = BPW // CB
LP = 64
IDXW = 100
NDMA = CB * L // IDXW
HROWS = BPW * L // IDXW

_mesh = plsc.VectorSubcoreMesh(core_axis_name="c", subcore_axis_name="s")


@functools.partial(
    pl.kernel,
    mesh=_mesh,
    compiler_params=pltpu.CompilerParams(use_tc_tiling_on_sc=False,
                                         needs_layout_passes=False),
    out_type=jax.ShapeDtypeStruct((B, 4 * D), jnp.float32),
    scratch_types=[
        pltpu.VMEM((BPW,), jnp.int32),
        pltpu.VMEM((BPW, D), jnp.float32),
        pltpu.VMEM((HROWS, IDXW), jnp.int32),
        pltpu.VMEM((BPW * LP,), jnp.float32),
        pltpu.VMEM((CB * L, D), jnp.float32),
        pltpu.VMEM((BPW, 4 * D), jnp.float32),
        pltpu.SemaphoreType.DMA,
    ],
)
def _sc_fwd(uid_hbm, hidx_hbm, mask_hbm, iid_hbm, cid_hbm,
            utab_hbm, itab_hbm, ctab_hbm, out_hbm,
            idx_v, rows_v, hidx_v, mask_v, hrows_v, outv, sem):
    wid = lax.axis_index("s") * 2 + lax.axis_index("c")
    base = wid * BPW

    for src_idx, tab, col in ((uid_hbm, utab_hbm, 0),
                              (iid_hbm, itab_hbm, 2),
                              (cid_hbm, ctab_hbm, 3)):
        pltpu.sync_copy(src_idx.at[pl.ds(base, BPW)], idx_v)
        pltpu.async_copy(tab.at[idx_v], rows_v, sem).wait()

        def copy_row(r, carry):
            for k in range(D // NL):
                outv[r, pl.ds(col * D + k * NL, NL)] = rows_v[r, pl.ds(k * NL, NL)]
            return carry

        lax.fori_loop(0, BPW, copy_row, 0)

    pltpu.sync_copy(hidx_hbm.at[pl.ds(wid * HROWS, HROWS)], hidx_v)
    pltpu.sync_copy(mask_hbm.at[pl.ds(base * LP, BPW * LP)], mask_v)

    zero = jnp.zeros((NL,), jnp.float32)

    def chunk_body(c, carry):
        cps = [
            pltpu.async_copy(itab_hbm.at[hidx_v.at[c * NDMA + j]],
                             hrows_v.at[pl.ds(j * IDXW, IDXW)], sem)
            for j in range(NDMA)
        ]
        for cp in cps:
            cp.wait()

        def b_body(bl, carry2):
            row = c * CB + bl
            boff = row * LP
            m = [mask_v[pl.ds(boff + j * NL, NL)] for j in range(LP // NL)]
            den = jnp.broadcast_to(jnp.sum(m[0] + m[1] + m[2] + m[3]), (NL,))
            s = jnp.float32(1.0) / den
            a = [zero, zero, zero, zero]
            for l in range(L):
                w = m[l // NL][l % NL]
                r = bl * L + l
                for k in range(D // NL):
                    a[k] = a[k] + w * hrows_v[r, pl.ds(k * NL, NL)]
            for k in range(D // NL):
                outv[row, pl.ds(D + k * NL, NL)] = a[k] * s
            return carry2

        lax.fori_loop(0, CB, b_body, 0)
        return carry

    lax.fori_loop(0, NCHUNK, chunk_body, 0)
    pltpu.sync_copy(outv, out_hbm.at[pl.ds(base, BPW), :])


def kernel(user_id_idx, user_hist_idx, user_hist_mask, item_id_idx,
           item_cate_idx, user_id_table, item_id_table, item_cate_table):
    uid = user_id_idx.reshape(B).astype(jnp.int32)
    iid = item_id_idx.reshape(B).astype(jnp.int32)
    cid = item_cate_idx.reshape(B).astype(jnp.int32)
    hidx = user_hist_idx.astype(jnp.int32).reshape(B * L // IDXW, IDXW)
    maskf = jnp.pad(user_hist_mask.astype(jnp.float32),
                    ((0, 0), (0, LP - L))).reshape(B * LP)
    return _sc_fwd(uid, hidx, maskf, iid, cid,
                   user_id_table.astype(jnp.float32),
                   item_id_table.astype(jnp.float32),
                   item_cate_table.astype(jnp.float32))

# --- scband reference (transcript-rebuilt; emitter-appended) ---
"""Pipeline reference for scband-base-model-80788334838142 (READ-ONLY COPY).

The authoritative reference and input builder live on the scoring server;
editing this copy changes nothing except your own understanding.
"""

import jax, jax.numpy as jnp
import numpy as np

B = 4096
L = 50
D = 64
VOCAB = 100000
CATE_VOCAB = 1000

def setup_inputs(seed: int = 0) -> dict:
    key = jax.random.key(seed)
    ks = jax.random.split(key, 8)
    return {
        "user_id_idx": jax.random.randint(ks[0], (B, 1), 0, VOCAB),
        "user_hist_idx": jax.random.randint(ks[1], (B, L), 0, VOCAB),
        "user_hist_mask": jax.random.uniform(ks[2], (B, L), dtype=jnp.float32),
        "item_id_idx": jax.random.randint(ks[3], (B, 1), 0, VOCAB),
        "item_cate_idx": jax.random.randint(ks[4], (B, 1), 0, CATE_VOCAB),
        "user_id_table": jax.random.normal(ks[5], (VOCAB, D), dtype=jnp.float32),
        "item_id_table": jax.random.normal(ks[6], (VOCAB, D), dtype=jnp.float32),
        "item_cate_table": jax.random.normal(ks[7], (CATE_VOCAB, D), dtype=jnp.float32),
    }

def reference(user_id_idx, user_hist_idx, user_hist_mask, item_id_idx, item_cate_idx, user_id_table, item_id_table, item_cate_table):
    # user_id: AggreateMethod 'none' -> plain embedding lookup [B,1,D]
    u = jnp.take(user_id_table, user_id_idx, axis=0)  # [B,1,D]
    # user_hist: DependEmbeddingTableName=item_id, AggreateMethod 'avgpooling'
    hist = jnp.take(item_id_table, user_hist_idx, axis=0)  # [B,L,D]
    hist = hist * user_hist_mask.reshape(-1, L, 1)
    hist = jnp.sum(hist, axis=1, keepdims=True)  # [B,1,D]
    hist = hist / jnp.sum(user_hist_mask, axis=-1, keepdims=True)[:, :, None]
    # item_id: 'none'
    it = jnp.take(item_id_table, item_id_idx, axis=0)  # [B,1,D]
    # item_cate: 'none'
    ct = jnp.take(item_cate_table, item_cate_idx, axis=0)  # [B,1,D]
    out = jnp.concatenate([u[:, 0, :], hist[:, 0, :], it[:, 0, :], ct[:, 0, :]], axis=-1)  # [B, 4*D]
    return out

if __name__ == "__main__":
    import jax
    _d = setup_inputs()
    print(jax.jit(kernel)(*tuple(_d.values())))

</pallas_src>

<mosaic_0001>
#map = affine_map<(d0, d1) -> (0)>
#map1 = affine_map<(d0, d1) -> (0, 0)>
module attributes {stable_mosaic.version = 14 : i64} {
  func.func @_sc_fwd(%arg0: i32, %arg1: i32, %arg2: memref<4096xi32, #tpu.memory_space<hbm>>, %arg3: memref<2048x100xi32, #tpu.memory_space<hbm>>, %arg4: memref<262144xf32, #tpu.memory_space<hbm>>, %arg5: memref<4096xi32, #tpu.memory_space<hbm>>, %arg6: memref<4096xi32, #tpu.memory_space<hbm>>, %arg7: memref<100000x64xf32, #tpu.memory_space<hbm>>, %arg8: memref<100000x64xf32, #tpu.memory_space<hbm>>, %arg9: memref<1000x64xf32, #tpu.memory_space<hbm>>, %arg10: memref<4096x256xf32, #tpu.memory_space<hbm>>, %arg11: memref<128xi32, #tpu.memory_space<vmem>>, %arg12: memref<128x64xf32, #tpu.memory_space<vmem>>, %arg13: memref<64x100xi32, #tpu.memory_space<vmem>>, %arg14: memref<8192xf32, #tpu.memory_space<vmem>>, %arg15: memref<400x64xf32, #tpu.memory_space<vmem>>, %arg16: memref<128x256xf32, #tpu.memory_space<vmem>>, %arg17: memref<!tpu.dma_semaphore, #tpu.memory_space<semaphore_mem>>) attributes {dimension_semantics = [#tpu.dimension_semantics<core_parallel>, #tpu.dimension_semantics<subcore_parallel>], iteration_bounds = array<i64: 2, 16>, scalar_prefetch = 0 : i64, scratch_operands = 7 : i64, tpu.core_type = #tpu.core_type<sc_vector_subcore>, window_params = [{transform_indices = #map}, {transform_indices = #map1}, {transform_indices = #map}, {transform_indices = #map}, {transform_indices = #map}, {transform_indices = #map1}, {transform_indices = #map1}, {transform_indices = #map1}, {transform_indices = #map1}]} {
    %mul3A = arith.constant 2 : i32
    %mul3A_0 = arith.muli %arg1, %mul3A : i32
    %add3A = arith.addi %mul3A_0, %arg0 : i32
    %mul3A_1 = arith.constant 128 : i32
    %mul3A_2 = arith.muli %add3A, %mul3A_1 : i32
    "tpu.region"() ({
      %run_scoped3A = tpu.sem_alloc : memref<!tpu.dma_semaphore, #tpu.memory_space<semaphore_mem>>
      %dma_start3A_47 = tpu.memref_slice %arg2[%mul3A_2] : memref<4096xi32, #tpu.memory_space<hbm>> -> memref<128xi32, #tpu.memory_space<hbm>>
      %dma_start3A_48 = tpu.memref_slice %arg2[%mul3A_2] : memref<4096xi32, #tpu.memory_space<hbm>> -> memref<128xi32, #tpu.memory_space<hbm>>
      tpu.enqueue_dma source(%dma_start3A_48 : memref<128xi32, #tpu.memory_space<hbm>>) target(%arg11 : memref<128xi32, #tpu.memory_space<vmem>>) target_semaphore(%run_scoped3A : memref<!tpu.dma_semaphore, #tpu.memory_space<semaphore_mem>>)
      %dma_wait3A_49 = tpu.memref_slice %arg2[%mul3A_2] : memref<4096xi32, #tpu.memory_space<hbm>> -> memref<128xi32, #tpu.memory_space<hbm>>
      %dma_wait3A_50 = tpu.memref_slice %arg2[%mul3A_2] : memref<4096xi32, #tpu.memory_space<hbm>> -> memref<128xi32, #tpu.memory_space<hbm>>
      tpu.wait_dma2 semaphore(%run_scoped3A : memref<!tpu.dma_semaphore, #tpu.memory_space<semaphore_mem>>) src(%dma_wait3A_50 : memref<128xi32, #tpu.memory_space<hbm>>) dst(%arg11 : memref<128xi32, #tpu.memory_space<vmem>>)
      tpu.yield
    }) : () -> ()
    %dma_start3A = arith.constant 0 : i32
    %dma_start3A_3 = arith.constant 0 : i32
    %dma_start3A_4 = tpu.memref_slice %arg7[%dma_start3A, %dma_start3A_3] : memref<100000x64xf32, #tpu.memory_space<hbm>> -> memref<100000x64xf32, #tpu.memory_space<hbm>>
    tpu.enqueue_indirect_dma source(%dma_start3A_4 : memref<100000x64xf32, #tpu.memory_space<hbm>>) target(%arg12 : memref<128x64xf32, #tpu.memory_space<vmem>>) offsets(%arg11 : memref<128xi32, #tpu.memory_space<vmem>>) semaphore(%arg17 : memref<!tpu.dma_semaphore, #tpu.memory_space<semaphore_mem>>)
    %dma_wait3A = arith.constant 0 : i32
    %dma_wait3A_5 = arith.constant 0 : i32
    %dma_wait3A_6 = tpu.memref_slice %arg7[%dma_wait3A, %dma_wait3A_5] : memref<100000x64xf32, #tpu.memory_space<hbm>> -> memref<100000x64xf32, #tpu.memory_space<hbm>>
    tpu.wait_indirect_dma semaphore(%arg17 : memref<!tpu.dma_semaphore, #tpu.memory_space<semaphore_mem>>) src(%dma_wait3A_6 : memref<100000x64xf32, #tpu.memory_space<hbm>>) dst(%arg12 : memref<128x64xf32, #tpu.memory_space<vmem>>)
    %scan3A = arith.constant 0 : i32
    %scan3A_7 = arith.constant 0 : i32
    %scan3A_8 = arith.constant 128 : i32
    %scan3A_9 = arith.addi %scan3A_7, %scan3A_8 : i32
    %scan3A_10 = arith.constant 1 : i32
    scf.for %scan3A_47 = %scan3A_7 to %scan3A_9 step %scan3A_10  : i32 {
      %get3A = arith.index_cast %scan3A_47 : i32 to index
      %get3A_48 = arith.constant 0 : index
      %get3A_49 = tpu.vector_load %arg12[%get3A, %get3A_48] {strides = array<i32>} : memref<128x64xf32, #tpu.memory_space<vmem>>, vector<16xf32>,
      %swap3A = arith.index_cast %scan3A_47 : i32 to index
      %swap3A_50 = arith.constant 0 : index
      %swap3A_51 = tpu.vector_load %arg16[%swap3A, %swap3A_50] {strides = array<i32>} : memref<128x256xf32, #tpu.memory_space<vmem>>, vector<16xf32>,
      tpu.vector_store %arg16[%swap3A, %swap3A_50], %get3A_49 {strides = array<i32>} : memref<128x256xf32, #tpu.memory_space<vmem>>, vector<16xf32>,
      %get3A_52 = arith.index_cast %scan3A_47 : i32 to index
      %get3A_53 = arith.constant 16 : index
      %get3A_54 = tpu.vector_load %arg12[%get3A_52, %get3A_53] {strides = array<i32>} : memref<128x64xf32, #tpu.memory_space<vmem>>, vector<16xf32>,
      %swap3A_55 = arith.index_cast %scan3A_47 : i32 to index
      %swap3A_56 = arith.constant 16 : index
      %swap3A_57 = tpu.vector_load %arg16[%swap3A_55, %swap3A_56] {strides = array<i32>} : memref<128x256xf32, #tpu.memory_space<vmem>>, vector<16xf32>,
      tpu.vector_store %arg16[%swap3A_55, %swap3A_56], %get3A_54 {strides = array<i32>} : memref<128x256xf32, #tpu.memory_space<vmem>>, vector<16xf32>,
      %get3A_58 = arith.index_cast %scan3A_47 : i32 to index
      %get3A_59 = arith.constant 32 : index
      %get3A_60 = tpu.vector_load %arg12[%get3A_58, %get3A_59] {strides = array<i32>} : memref<128x64xf32, #tpu.memory_space<vmem>>, vector<16xf32>,
      %swap3A_61 = arith.index_cast %scan3A_47 : i32 to index
      %swap3A_62 = arith.constant 32 : index
      %swap3A_63 = tpu.vector_load %arg16[%swap3A_61, %swap3A_62] {strides = array<i32>} : memref<128x256xf32, #tpu.memory_space<vmem>>, vector<16xf32>,
      tpu.vector_store %arg16[%swap3A_61, %swap3A_62], %get3A_60 {strides = array<i32>} : memref<128x256xf32, #tpu.memory_space<vmem>>, vector<16xf32>,
      %get3A_64 = arith.index_cast %scan3A_47 : i32 to index
      %get3A_65 = arith.constant 48 : index
      %get3A_66 = tpu.vector_load %arg12[%get3A_64, %get3A_65] {strides = array<i32>} : memref<128x64xf32, #tpu.memory_space<vmem>>, vector<16xf32>,
      %swap3A_67 = arith.index_cast %scan3A_47 : i32 to index
      %swap3A_68 = arith.constant 48 : index
      %swap3A_69 = tpu.vector_load %arg16[%swap3A_67, %swap3A_68] {strides = array<i32>} : memref<128x256xf32, #tpu.memory_space<vmem>>, vector<16xf32>,
      tpu.vector_store %arg16[%swap3A_67, %swap3A_68], %get3A_66 {strides = array<i32>} : memref<128x256xf32, #tpu.memory_space<vmem>>, vector<16xf32>,
    }
    %scan3A_11 = arith.constant 128 : i32
    "tpu.region"() ({
      %run_scoped3A = tpu.sem_alloc : memref<!tpu.dma_semaphore, #tpu.memory_space<semaphore_mem>>
      %dma_start3A_47 = tpu.memref_slice %arg5[%mul3A_2] : memref<4096xi32, #tpu.memory_space<hbm>> -> memref<128xi32, #tpu.memory_space<hbm>>
      %dma_start3A_48 = tpu.memref_slice %arg5[%mul3A_2] : memref<4096xi32, #tpu.memory_space<hbm>> -> memref<128xi32, #tpu.memory_space<hbm>>
      tpu.enqueue_dma source(%dma_start3A_48 : memref<128xi32, #tpu.memory_space<hbm>>) target(%arg11 : memref<128xi32, #tpu.memory_space<vmem>>) target_semaphore(%run_scoped3A : memref<!tpu.dma_semaphore, #tpu.memory_space<semaphore_mem>>)
      %dma_wait3A_49 = tpu.memref_slice %arg5[%mul3A_2] : memref<4096xi32, #tpu.memory_space<hbm>> -> memref<128xi32, #tpu.memory_space<hbm>>
      %dma_wait3A_50 = tpu.memref_slice %arg5[%mul3A_2] : memref<4096xi32, #tpu.memory_space<hbm>> -> memref<128xi32, #tpu.memory_space<hbm>>
      tpu.wait_dma2 semaphore(%run_scoped3A : memref<!tpu.dma_semaphore, #tpu.memory_space<semaphore_mem>>) src(%dma_wait3A_50 : memref<128xi32, #tpu.memory_space<hbm>>) dst(%arg11 : memref<128xi32, #tpu.memory_space<vmem>>)
      tpu.yield
    }) : () -> ()
    %dma_start3A_12 = arith.constant 0 : i32
    %dma_start3A_13 = arith.constant 0 : i32
    %dma_start3A_14 = tpu.memref_slice %arg8[%dma_start3A_12, %dma_start3A_13] : memref<100000x64xf32, #tpu.memory_space<hbm>> -> memref<100000x64xf32, #tpu.memory_space<hbm>>
    tpu.enqueue_indirect_dma source(%dma_start3A_14 : memref<100000x64xf32, #tpu.memory_space<hbm>>) target(%arg12 : memref<128x64xf32, #tpu.memory_space<vmem>>) offsets(%arg11 : memref<128xi32, #tpu.memory_space<vmem>>) semaphore(%arg17 : memref<!tpu.dma_semaphore, #tpu.memory_space<semaphore_mem>>)
    %dma_wait3A_15 = arith.constant 0 : i32
    %dma_wait3A_16 = arith.constant 0 : i32
    %dma_wait3A_17 = tpu.memref_slice %arg8[%dma_wait3A_15, %dma_wait3A_16] : memref<100000x64xf32, #tpu.memory_space<hbm>> -> memref<100000x64xf32, #tpu.memory_space<hbm>>
    tpu.wait_indirect_dma semaphore(%arg17 : memref<!tpu.dma_semaphore, #tpu.memory_space<semaphore_mem>>) src(%dma_wait3A_17 : memref<100000x64xf32, #tpu.memory_space<hbm>>) dst(%arg12 : memref<128x64xf32, #tpu.memory_space<vmem>>)
    %scan3A_18 = arith.constant 0 : i32
    %scan3A_19 = arith.constant 0 : i32
    %scan3A_20 = arith.constant 128 : i32
    %scan3A_21 = arith.addi %scan3A_19, %scan3A_20 : i32
    %scan3A_22 = arith.constant 1 : i32
    scf.for %scan3A_47 = %scan3A_19 to %scan3A_21 step %scan3A_22  : i32 {
      %get3A = arith.index_cast %scan3A_47 : i32 to index
      %get3A_48 = arith.constant 0 : index
      %get3A_49 = tpu.vector_load %arg12[%get3A, %get3A_48] {strides = array<i32>} : memref<128x64xf32, #tpu.memory_space<vmem>>, vector<16xf32>,
      %swap3A = arith.index_cast %scan3A_47 : i32 to index
      %swap3A_50 = arith.constant 128 : index
      %swap3A_51 = tpu.vector_load %arg16[%swap3A, %swap3A_50] {strides = array<i32>} : memref<128x256xf32, #tpu.memory_space<vmem>>, vector<16xf32>,
      tpu.vector_store %arg16[%swap3A, %swap3A_50], %get3A_49 {strides = array<i32>} : memref<128x256xf32, #tpu.memory_space<vmem>>, vector<16xf32>,
      %get3A_52 = arith.index_cast %scan3A_47 : i32 to index
      %get3A_53 = arith.constant 16 : index
      %get3A_54 = tpu.vector_load %arg12[%get3A_52, %get3A_53] {strides = array<i32>} : memref<128x64xf32, #tpu.memory_space<vmem>>, vector<16xf32>,
      %swap3A_55 = arith.index_cast %scan3A_47 : i32 to index
      %swap3A_56 = arith.constant 144 : index
      %swap3A_57 = tpu.vector_load %arg16[%swap3A_55, %swap3A_56] {strides = array<i32>} : memref<128x256xf32, #tpu.memory_space<vmem>>, vector<16xf32>,
      tpu.vector_store %arg16[%swap3A_55, %swap3A_56], %get3A_54 {strides = array<i32>} : memref<128x256xf32, #tpu.memory_space<vmem>>, vector<16xf32>,
      %get3A_58 = arith.index_cast %scan3A_47 : i32 to index
      %get3A_59 = arith.constant 32 : index
      %get3A_60 = tpu.vector_load %arg12[%get3A_58, %get3A_59] {strides = array<i32>} : memref<128x64xf32, #tpu.memory_space<vmem>>, vector<16xf32>,
      %swap3A_61 = arith.index_cast %scan3A_47 : i32 to index
      %swap3A_62 = arith.constant 160 : index
      %swap3A_63 = tpu.vector_load %arg16[%swap3A_61, %swap3A_62] {strides = array<i32>} : memref<128x256xf32, #tpu.memory_space<vmem>>, vector<16xf32>,
      tpu.vector_store %arg16[%swap3A_61, %swap3A_62], %get3A_60 {strides = array<i32>} : memref<128x256xf32, #tpu.memory_space<vmem>>, vector<16xf32>,
      %get3A_64 = arith.index_cast %scan3A_47 : i32 to index
      %get3A_65 = arith.constant 48 : index
      %get3A_66 = tpu.vector_load %arg12[%get3A_64, %get3A_65] {strides = array<i32>} : memref<128x64xf32, #tpu.memory_space<vmem>>, vector<16xf32>,
      %swap3A_67 = arith.index_cast %scan3A_47 : i32 to index
      %swap3A_68 = arith.constant 176 : index
      %swap3A_69 = tpu.vector_load %arg16[%swap3A_67, %swap3A_68] {strides = array<i32>} : memref<128x256xf32, #tpu.memory_space<vmem>>, vector<16xf32>,
      tpu.vector_store %arg16[%swap3A_67, %swap3A_68], %get3A_66 {strides = array<i32>} : memref<128x256xf32, #tpu.memory_space<vmem>>, vector<16xf32>,
    }
    %scan3A_23 = arith.constant 128 : i32
    "tpu.region"() ({
      %run_scoped3A = tpu.sem_alloc : memref<!tpu.dma_semaphore, #tpu.memory_space<semaphore_mem>>
      %dma_start3A_47 = tpu.memref_slice %arg6[%mul3A_2] : memref<4096xi32, #tpu.memory_space<hbm>> -> memref<128xi32, #tpu.memory_space<hbm>>
      %dma_start3A_48 = tpu.memref_slice %arg6[%mul3A_2] : memref<4096xi32, #tpu.memory_space<hbm>> -> memref<128xi32, #tpu.memory_space<hbm>>
      tpu.enqueue_dma source(%dma_start3A_48 : memref<128xi32, #tpu.memory_space<hbm>>) target(%arg11 : memref<128xi32, #tpu.memory_space<vmem>>) target_semaphore(%run_scoped3A : memref<!tpu.dma_semaphore, #tpu.memory_space<semaphore_mem>>)
      %dma_wait3A_49 = tpu.memref_slice %arg6[%mul3A_2] : memref<4096xi32, #tpu.memory_space<hbm>> -> memref<128xi32, #tpu.memory_space<hbm>>
      %dma_wait3A_50 = tpu.memref_slice %arg6[%mul3A_2] : memref<4096xi32, #tpu.memory_space<hbm>> -> memref<128xi32, #tpu.memory_space<hbm>>
      tpu.wait_dma2 semaphore(%run_scoped3A : memref<!tpu.dma_semaphore, #tpu.memory_space<semaphore_mem>>) src(%dma_wait3A_50 : memref<128xi32, #tpu.memory_space<hbm>>) dst(%arg11 : memref<128xi32, #tpu.memory_space<vmem>>)
      tpu.yield
    }) : () -> ()
    %dma_start3A_24 = arith.constant 0 : i32
    %dma_start3A_25 = arith.constant 0 : i32
    %dma_start3A_26 = tpu.memref_slice %arg9[%dma_start3A_24, %dma_start3A_25] : memref<1000x64xf32, #tpu.memory_space<hbm>> -> memref<1000x64xf32, #tpu.memory_space<hbm>>
    tpu.enqueue_indirect_dma source(%dma_start3A_26 : memref<1000x64xf32, #tpu.memory_space<hbm>>) target(%arg12 : memref<128x64xf32, #tpu.memory_space<vmem>>) offsets(%arg11 : memref<128xi32, #tpu.memory_space<vmem>>) semaphore(%arg17 : memref<!tpu.dma_semaphore, #tpu.memory_space<semaphore_mem>>)
    %dma_wait3A_27 = arith.constant 0 : i32
    %dma_wait3A_28 = arith.constant 0 : i32
    %dma_wait3A_29 = tpu.memref_slice %arg9[%dma_wait3A_27, %dma_wait3A_28] : memref<1000x64xf32, #tpu.memory_space<hbm>> -> memref<1000x64xf32, #tpu.memory_space<hbm>>
    tpu.wait_indirect_dma semaphore(%arg17 : memref<!tpu.dma_semaphore, #tpu.memory_space<semaphore_mem>>) src(%dma_wait3A_29 : memref<1000x64xf32, #tpu.memory_space<hbm>>) dst(%arg12 : memref<128x64xf32, #tpu.memory_space<vmem>>)
    %scan3A_30 = arith.constant 0 : i32
    %scan3A_31 = arith.constant 0 : i32
    %scan3A_32 = arith.constant 128 : i32
    %scan3A_33 = arith.addi %scan3A_31, %scan3A_32 : i32
    %scan3A_34 = arith.constant 1 : i32
    scf.for %scan3A_47 = %scan3A_31 to %scan3A_33 step %scan3A_34  : i32 {
      %get3A = arith.index_cast %scan3A_47 : i32 to index
      %get3A_48 = arith.constant 0 : index
      %get3A_49 = tpu.vector_load %arg12[%get3A, %get3A_48] {strides = array<i32>} : memref<128x64xf32, #tpu.memory_space<vmem>>, vector<16xf32>,
      %swap3A = arith.index_cast %scan3A_47 : i32 to index
      %swap3A_50 = arith.constant 192 : index
      %swap3A_51 = tpu.vector_load %arg16[%swap3A, %swap3A_50] {strides = array<i32>} : memref<128x256xf32, #tpu.memory_space<vmem>>, vector<16xf32>,
      tpu.vector_store %arg16[%swap3A, %swap3A_50], %get3A_49 {strides = array<i32>} : memref<128x256xf32, #tpu.memory_space<vmem>>, vector<16xf32>,
      %get3A_52 = arith.index_cast %scan3A_47 : i32 to index
      %get3A_53 = arith.constant 16 : index
      %get3A_54 = tpu.vector_load %arg12[%get3A_52, %get3A_53] {strides = array<i32>} : memref<128x64xf32, #tpu.memory_space<vmem>>, vector<16xf32>,
      %swap3A_55 = arith.index_cast %scan3A_47 : i32 to index
      %swap3A_56 = arith.constant 208 : index
      %swap3A_57 = tpu.vector_load %arg16[%swap3A_55, %swap3A_56] {strides = array<i32>} : memref<128x256xf32, #tpu.memory_space<vmem>>, vector<16xf32>,
      tpu.vector_store %arg16[%swap3A_55, %swap3A_56], %get3A_54 {strides = array<i32>} : memref<128x256xf32, #tpu.memory_space<vmem>>, vector<16xf32>,
      %get3A_58 = arith.index_cast %scan3A_47 : i32 to index
      %get3A_59 = arith.constant 32 : index
      %get3A_60 = tpu.vector_load %arg12[%get3A_58, %get3A_59] {strides = array<i32>} : memref<128x64xf32, #tpu.memory_space<vmem>>, vector<16xf32>,
      %swap3A_61 = arith.index_cast %scan3A_47 : i32 to index
      %swap3A_62 = arith.constant 224 : index
      %swap3A_63 = tpu.vector_load %arg16[%swap3A_61, %swap3A_62] {strides = array<i32>} : memref<128x256xf32, #tpu.memory_space<vmem>>, vector<16xf32>,
      tpu.vector_store %arg16[%swap3A_61, %swap3A_62], %get3A_60 {strides = array<i32>} : memref<128x256xf32, #tpu.memory_space<vmem>>, vector<16xf32>,
      %get3A_64 = arith.index_cast %scan3A_47 : i32 to index
      %get3A_65 = arith.constant 48 : index
      %get3A_66 = tpu.vector_load %arg12[%get3A_64, %get3A_65] {strides = array<i32>} : memref<128x64xf32, #tpu.memory_space<vmem>>, vector<16xf32>,
      %swap3A_67 = arith.index_cast %scan3A_47 : i32 to index
      %swap3A_68 = arith.constant 240 : index
      %swap3A_69 = tpu.vector_load %arg16[%swap3A_67, %swap3A_68] {strides = array<i32>} : memref<128x256xf32, #tpu.memory_space<vmem>>, vector<16xf32>,
      tpu.vector_store %arg16[%swap3A_67, %swap3A_68], %get3A_66 {strides = array<i32>} : memref<128x256xf32, #tpu.memory_space<vmem>>, vector<16xf32>,
    }
    %scan3A_35 = arith.constant 128 : i32
    %mul3A_36 = arith.constant 64 : i32
    %mul3A_37 = arith.muli %add3A, %mul3A_36 : i32
    "tpu.region"() ({
      %run_scoped3A = tpu.sem_alloc : memref<!tpu.dma_semaphore, #tpu.memory_space<semaphore_mem>>
      %dma_start3A_47 = arith.constant 0 : i32
      %dma_start3A_48 = tpu.memref_slice %arg3[%mul3A_37, %dma_start3A_47] : memref<2048x100xi32, #tpu.memory_space<hbm>> -> memref<64x100xi32, #tpu.memory_space<hbm>>
      %dma_start3A_49 = arith.constant 0 : i32
      %dma_start3A_50 = tpu.memref_slice %arg3[%mul3A_37, %dma_start3A_49] : memref<2048x100xi32, #tpu.memory_space<hbm>> -> memref<64x100xi32, #tpu.memory_space<hbm>>
      tpu.enqueue_dma source(%dma_start3A_50 : memref<64x100xi32, #tpu.memory_space<hbm>>) target(%arg13 : memref<64x100xi32, #tpu.memory_space<vmem>>) target_semaphore(%run_scoped3A : memref<!tpu.dma_semaphore, #tpu.memory_space<semaphore_mem>>)
      %dma_wait3A_51 = arith.constant 0 : i32
      %dma_wait3A_52 = tpu.memref_slice %arg3[%mul3A_37, %dma_wait3A_51] : memref<2048x100xi32, #tpu.memory_space<hbm>> -> memref<64x100xi32, #tpu.memory_space<hbm>>
      %dma_wait3A_53 = arith.constant 0 : i32
      %dma_wait3A_54 = tpu.memref_slice %arg3[%mul3A_37, %dma_wait3A_53] : memref<2048x100xi32, #tpu.memory_space<hbm>> -> memref<64x100xi32, #tpu.memory_space<hbm>>
      tpu.wait_dma2 semaphore(%run_scoped3A : memref<!tpu.dma_semaphore, #tpu.memory_space<semaphore_mem>>) src(%dma_wait3A_54 : memref<64x100xi32, #tpu.memory_space<hbm>>) dst(%arg13 : memref<64x100xi32, #tpu.memory_space<vmem>>)
      tpu.yield
    }) : () -> ()
    %mul3A_38 = arith.constant 64 : i32
    %mul3A_39 = arith.muli %mul3A_2, %mul3A_38 : i32
    "tpu.region"() ({
      %run_scoped3A = tpu.sem_alloc : memref<!tpu.dma_semaphore, #tpu.memory_space<semaphore_mem>>
      %dma_start3A_47 = tpu.memref_slice %arg4[%mul3A_39] : memref<262144xf32, #tpu.memory_space<hbm>> -> memref<8192xf32, #tpu.memory_space<hbm>>
      %dma_start3A_48 = tpu.memref_slice %arg4[%mul3A_39] : memref<262144xf32, #tpu.memory_space<hbm>> -> memref<8192xf32, #tpu.memory_space<hbm>>
      tpu.enqueue_dma source(%dma_start3A_48 : memref<8192xf32, #tpu.memory_space<hbm>>) target(%arg14 : memref<8192xf32, #tpu.memory_space<vmem>>) target_semaphore(%run_scoped3A : memref<!tpu.dma_semaphore, #tpu.memory_space<semaphore_mem>>)
      %dma_wait3A_49 = tpu.memref_slice %arg4[%mul3A_39] : memref<262144xf32, #tpu.memory_space<hbm>> -> memref<8192xf32, #tpu.memory_space<hbm>>
      %dma_wait3A_50 = tpu.memref_slice %arg4[%mul3A_39] : memref<262144xf32, #tpu.memory_space<hbm>> -> memref<8192xf32, #tpu.memory_space<hbm>>
      tpu.wait_dma2 semaphore(%run_scoped3A : memref<!tpu.dma_semaphore, #tpu.memory_space<semaphore_mem>>) src(%dma_wait3A_50 : memref<8192xf32, #tpu.memory_space<hbm>>) dst(%arg14 : memref<8192xf32, #tpu.memory_space<vmem>>)
      tpu.yield
    }) : () -> ()
    %broadcast_in_dim3A = arith.constant 0.000000e+00 : f32
    %broadcast_in_dim3A_40 = vector.broadcast %broadcast_in_dim3A : f32 to vector<16xf32>
    %scan3A_41 = arith.constant 0 : i32
    %scan3A_42 = arith.constant 0 : i32
    %scan3A_43 = arith.constant 16 : i32
    %scan3A_44 = arith.addi %scan3A_42, %scan3A_43 : i32
    %scan3A_45 = arith.constant 1 : i32
    scf.for %scan3A_47 = %scan3A_42 to %scan3A_44 step %scan3A_45  : i32 {
      %mul3A_48 = arith.constant 4 : i32
      %mul3A_49 = arith.muli %scan3A_47, %mul3A_48 : i32
      %add3A_50 = arith.constant 0 : i32
      %add3A_51 = arith.addi %mul3A_49, %add3A_50 : i32
      %dma_start3A_52 = arith.constant 0 : i32
      %dma_start3A_53 = arith.constant 0 : i32
      %dma_start3A_54 = tpu.memref_slice %arg15[%dma_start3A_52, %dma_start3A_53] : memref<400x64xf32, #tpu.memory_space<vmem>> -> memref<100x64xf32, #tpu.memory_space<vmem>>
      %dma_start3A_55 = arith.constant 0 : i32
      %dma_start3A_56 = tpu.memref_slice %arg13[%add3A_51, %dma_start3A_55] : memref<64x100xi32, #tpu.memory_space<vmem>> -> memref<1x100xi32, #tpu.memory_space<vmem>>
      %dma_start3A_57 = tpu.memref_squeeze %dma_start3A_56 : memref<1x100xi32, #tpu.memory_space<vmem>> -> memref<100xi32, #tpu.memory_space<vmem>>
      %dma_start3A_58 = arith.constant 0 : i32
      %dma_start3A_59 = arith.constant 0 : i32
      %dma_start3A_60 = tpu.memref_slice %arg8[%dma_start3A_58, %dma_start3A_59] : memref<100000x64xf32, #tpu.memory_space<hbm>> -> memref<100000x64xf32, #tpu.memory_space<hbm>>
      tpu.enqueue_indirect_dma source(%dma_start3A_60 : memref<100000x64xf32, #tpu.memory_space<hbm>>) target(%dma_start3A_54 : memref<100x64xf32, #tpu.memory_space<vmem>>) offsets(%dma_start3A_57 : memref<100xi32, #tpu.memory_space<vmem>>) semaphore(%arg17 : memref<!tpu.dma_semaphore, #tpu.memory_space<semaphore_mem>>)
      %mul3A_61 = arith.constant 4 : i32
      %mul3A_62 = arith.muli %scan3A_47, %mul3A_61 : i32
      %add3A_63 = arith.constant 1 : i32
      %add3A_64 = arith.addi %mul3A_62, %add3A_63 : i32
      %dma_start3A_65 = arith.constant 100 : i32
      %dma_start3A_66 = arith.constant 0 : i32
      %dma_start3A_67 = tpu.memref_slice %arg15[%dma_start3A_65, %dma_start3A_66] : memref<400x64xf32, #tpu.memory_space<vmem>> -> memref<100x64xf32, #tpu.memory_space<vmem>>
      %dma_start3A_68 = arith.constant 0 : i32
      %dma_start3A_69 = tpu.memref_slice %arg13[%add3A_64, %dma_start3A_68] : memref<64x100xi32, #tpu.memory_space<vmem>> -> memref<1x100xi32, #tpu.memory_space<vmem>>
      %dma_start3A_70 = tpu.memref_squeeze %dma_start3A_69 : memref<1x100xi32, #tpu.memory_space<vmem>> -> memref<100xi32, #tpu.memory_space<vmem>>
      %dma_start3A_71 = arith.constant 0 : i32
      %dma_start3A_72 = arith.constant 0 : i32
      %dma_start3A_73 = tpu.memref_slice %arg8[%dma_start3A_71, %dma_start3A_72] : memref<100000x64xf32, #tpu.memory_space<hbm>> -> memref<100000x64xf32, #tpu.memory_space<hbm>>
      tpu.enqueue_indirect_dma source(%dma_start3A_73 : memref<100000x64xf32, #tpu.memory_space<hbm>>) target(%dma_start3A_67 : memref<100x64xf32, #tpu.memory_space<vmem>>) offsets(%dma_start3A_70 : memref<100xi32, #tpu.memory_space<vmem>>) semaphore(%arg17 : memref<!tpu.dma_semaphore, #tpu.memory_space<semaphore_mem>>)
      %mul3A_74 = arith.constant 4 : i32
      %mul3A_75 = arith.muli %scan3A_47, %mul3A_74 : i32
      %add3A_76 = arith.constant 2 : i32
      %add3A_77 = arith.addi %mul3A_75, %add3A_76 : i32
      %dma_start3A_78 = arith.constant 200 : i32
      %dma_start3A_79 = arith.constant 0 : i32
      %dma_start3A_80 = tpu.memref_slice %arg15[%dma_start3A_78, %dma_start3A_79] : memref<400x64xf32, #tpu.memory_space<vmem>> -> memref<100x64xf32, #tpu.memory_space<vmem>>
      %dma_start3A_81 = arith.constant 0 : i32
      %dma_start3A_82 = tpu.memref_slice %arg13[%add3A_77, %dma_start3A_81] : memref<64x100xi32, #tpu.memory_space<vmem>> -> memref<1x100xi32, #tpu.memory_space<vmem>>
      %dma_start3A_83 = tpu.memref_squeeze %dma_start3A_82 : memref<1x100xi32, #tpu.memory_space<vmem>> -> memref<100xi32, #tpu.memory_space<vmem>>
      %dma_start3A_84 = arith.constant 0 : i32
      %dma_start3A_85 = arith.constant 0 : i32
      %dma_start3A_86 = tpu.memref_slice %arg8[%dma_start3A_84, %dma_start3A_85] : memref<100000x64xf32, #tpu.memory_space<hbm>> -> memref<100000x64xf32, #tpu.memory_space<hbm>>
      tpu.enqueue_indirect_dma source(%dma_start3A_86 : memref<100000x64xf32, #tpu.memory_space<hbm>>) target(%dma_start3A_80 : memref<100x64xf32, #tpu.memory_space<vmem>>) offsets(%dma_start3A_83 : memref<100xi32, #tpu.memory_space<vmem>>) semaphore(%arg17 : memref<!tpu.dma_semaphore, #tpu.memory_space<semaphore_mem>>)
      %mul3A_87 = arith.constant 4 : i32
      %mul3A_88 = arith.muli %scan3A_47, %mul3A_87 : i32
      %add3A_89 = arith.constant 3 : i32
      %add3A_90 = arith.addi %mul3A_88, %add3A_89 : i32
      %dma_start3A_91 = arith.constant 300 : i32
      %dma_start3A_92 = arith.constant 0 : i32
      %dma_start3A_93 = tpu.memref_slice %arg15[%dma_start3A_91, %dma_start3A_92] : memref<400x64xf32, #tpu.memory_space<vmem>> -> memref<100x64xf32, #tpu.memory_space<vmem>>
      %dma_start3A_94 = arith.constant 0 : i32
      %dma_start3A_95 = tpu.memref_slice %arg13[%add3A_90, %dma_start3A_94] : memref<64x100xi32, #tpu.memory_space<vmem>> -> memref<1x100xi32, #tpu.memory_space<vmem>>
      %dma_start3A_96 = tpu.memref_squeeze %dma_start3A_95 : memref<1x100xi32, #tpu.memory_space<vmem>> -> memref<100xi32, #tpu.memory_space<vmem>>
      %dma_start3A_97 = arith.constant 0 : i32
      %dma_start3A_98 = arith.constant 0 : i32
      %dma_start3A_99 = tpu.memref_slice %arg8[%dma_start3A_97, %dma_start3A_98] : memref<100000x64xf32, #tpu.memory_space<hbm>> -> memref<100000x64xf32, #tpu.memory_space<hbm>>
      tpu.enqueue_indirect_dma source(%dma_start3A_99 : memref<100000x64xf32, #tpu.memory_space<hbm>>) target(%dma_start3A_93 : memref<100x64xf32, #tpu.memory_space<vmem>>) offsets(%dma_start3A_96 : memref<100xi32, #tpu.memory_space<vmem>>) semaphore(%arg17 : memref<!tpu.dma_semaphore, #tpu.memory_space<semaphore_mem>>)
      %dma_wait3A_100 = arith.constant 0 : i32
      %dma_wait3A_101 = arith.constant 0 : i32
      %dma_wait3A_102 = tpu.memref_slice %arg15[%dma_wait3A_100, %dma_wait3A_101] : memref<400x64xf32, #tpu.memory_space<vmem>> -> memref<100x64xf32, #tpu.memory_space<vmem>>
      %dma_wait3A_103 = arith.constant 0 : i32
      %dma_wait3A_104 = tpu.memref_slice %arg13[%add3A_51, %dma_wait3A_103] : memref<64x100xi32, #tpu.memory_space<vmem>> -> memref<1x100xi32, #tpu.memory_space<vmem>>
      %dma_wait3A_105 = tpu.memref_squeeze %dma_wait3A_104 : memref<1x100xi32, #tpu.memory_space<vmem>> -> memref<100xi32, #tpu.memory_space<vmem>>
      %dma_wait3A_106 = arith.constant 0 : i32
      %dma_wait3A_107 = arith.constant 0 : i32
      %dma_wait3A_108 = tpu.memref_slice %arg8[%dma_wait3A_106, %dma_wait3A_107] : memref<100000x64xf32, #tpu.memory_space<hbm>> -> memref<100000x64xf32, #tpu.memory_space<hbm>>
      tpu.wait_indirect_dma semaphore(%arg17 : memref<!tpu.dma_semaphore, #tpu.memory_space<semaphore_mem>>) src(%dma_wait3A_108 : memref<100000x64xf32, #tpu.memory_space<hbm>>) dst(%dma_wait3A_102 : memref<100x64xf32, #tpu.memory_space<vmem>>)
      %dma_wait3A_109 = arith.constant 100 : i32
      %dma_wait3A_110 = arith.constant 0 : i32
      %dma_wait3A_111 = tpu.memref_slice %arg15[%dma_wait3A_109, %dma_wait3A_110] : memref<400x64xf32, #tpu.memory_space<vmem>> -> memref<100x64xf32, #tpu.memory_space<vmem>>
      %dma_wait3A_112 = arith.constant 0 : i32
      %dma_wait3A_113 = tpu.memref_slice %arg13[%add3A_64, %dma_wait3A_112] : memref<64x100xi32, #tpu.memory_space<vmem>> -> memref<1x100xi32, #tpu.memory_space<vmem>>
      %dma_wait3A_114 = tpu.memref_squeeze %dma_wait3A_113 : memref<1x100xi32, #tpu.memory_space<vmem>> -> memref<100xi32, #tpu.memory_space<vmem>>
      %dma_wait3A_115 = arith.constant 0 : i32
      %dma_wait3A_116 = arith.constant 0 : i32
      %dma_wait3A_117 = tpu.memref_slice %arg8[%dma_wait3A_115, %dma_wait3A_116] : memref<100000x64xf32, #tpu.memory_space<hbm>> -> memref<100000x64xf32, #tpu.memory_space<hbm>>
      tpu.wait_indirect_dma semaphore(%arg17 : memref<!tpu.dma_semaphore, #tpu.memory_space<semaphore_mem>>) src(%dma_wait3A_117 : memref<100000x64xf32, #tpu.memory_space<hbm>>) dst(%dma_wait3A_111 : memref<100x64xf32, #tpu.memory_space<vmem>>)
      %dma_wait3A_118 = arith.constant 200 : i32
      %dma_wait3A_119 = arith.constant 0 : i32
      %dma_wait3A_120 = tpu.memref_slice %arg15[%dma_wait3A_118, %dma_wait3A_119] : memref<400x64xf32, #tpu.memory_space<vmem>> -> memref<100x64xf32, #tpu.memory_space<vmem>>
      %dma_wait3A_121 = arith.constant 0 : i32
      %dma_wait3A_122 = tpu.memref_slice %arg13[%add3A_77, %dma_wait3A_121] : memref<64x100xi32, #tpu.memory_space<vmem>> -> memref<1x100xi32, #tpu.memory_space<vmem>>
      %dma_wait3A_123 = tpu.memref_squeeze %dma_wait3A_122 : memref<1x100xi32, #tpu.memory_space<vmem>> -> memref<100xi32, #tpu.memory_space<vmem>>
      %dma_wait3A_124 = arith.constant 0 : i32
      %dma_wait3A_125 = arith.constant 0 : i32
      %dma_wait3A_126 = tpu.memref_slice %arg8[%dma_wait3A_124, %dma_wait3A_125] : memref<100000x64xf32, #tpu.memory_space<hbm>> -> memref<100000x64xf32, #tpu.memory_space<hbm>>
      tpu.wait_indirect_dma semaphore(%arg17 : memref<!tpu.dma_semaphore, #tpu.memory_space<semaphore_mem>>) src(%dma_wait3A_126 : memref<100000x64xf32, #tpu.memory_space<hbm>>) dst(%dma_wait3A_120 : memref<100x64xf32, #tpu.memory_space<vmem>>)
      %dma_wait3A_127 = arith.constant 300 : i32
      %dma_wait3A_128 = arith.constant 0 : i32
      %dma_wait3A_129 = tpu.memref_slice %arg15[%dma_wait3A_127, %dma_wait3A_128] : memref<400x64xf32, #tpu.memory_space<vmem>> -> memref<100x64xf32, #tpu.memory_space<vmem>>
      %dma_wait3A_130 = arith.constant 0 : i32
      %dma_wait3A_131 = tpu.memref_slice %arg13[%add3A_90, %dma_wait3A_130] : memref<64x100xi32, #tpu.memory_space<vmem>> -> memref<1x100xi32, #tpu.memory_space<vmem>>
      %dma_wait3A_132 = tpu.memref_squeeze %dma_wait3A_131 : memref<1x100xi32, #tpu.memory_space<vmem>> -> memref<100xi32, #tpu.memory_space<vmem>>
      %dma_wait3A_133 = arith.constant 0 : i32
      %dma_wait3A_134 = arith.constant 0 : i32
      %dma_wait3A_135 = tpu.memref_slice %arg8[%dma_wait3A_133, %dma_wait3A_134] : memref<100000x64xf32, #tpu.memory_space<hbm>> -> memref<100000x64xf32, #tpu.memory_space<hbm>>
      tpu.wait_indirect_dma semaphore(%arg17 : memref<!tpu.dma_semaphore, #tpu.memory_space<semaphore_mem>>) src(%dma_wait3A_135 : memref<100000x64xf32, #tpu.memory_space<hbm>>) dst(%dma_wait3A_129 : memref<100x64xf32, #tpu.memory_space<vmem>>)
      %scan3A_136 = arith.constant 0 : i32
      %scan3A_137 = arith.constant 0 : i32
      %scan3A_138 = arith.constant 8 : i32
      %scan3A_139 = arith.addi %scan3A_137, %scan3A_138 : i32
      %scan3A_140 = arith.constant 1 : i32
      scf.for %scan3A_142 = %scan3A_137 to %scan3A_139 step %scan3A_140  : i32 {
        %mul3A_143 = arith.constant 8 : i32
        %mul3A_144 = arith.muli %scan3A_47, %mul3A_143 : i32
        %add3A_145 = arith.addi %mul3A_144, %scan3A_142 : i32
        %mul3A_146 = arith.constant 64 : i32
        %mul3A_147 = arith.muli %add3A_145, %mul3A_146 : i32
        %add3A_148 = arith.constant 0 : i32
        %add3A_149 = arith.addi %mul3A_147, %add3A_148 : i32
        %get3A = arith.index_cast %add3A_149 : i32 to index
        %get3A_150 = tpu.vector_load %arg14[%get3A] {strides = array<i32>} : memref<8192xf32, #tpu.memory_space<vmem>>, vector<16xf32>,
        %add3A_151 = arith.constant 16 : i32
        %add3A_152 = arith.addi %mul3A_147, %add3A_151 : i32
        %get3A_153 = arith.index_cast %add3A_152 : i32 to index
        %get3A_154 = tpu.vector_load %arg14[%get3A_153] {strides = array<i32>} : memref<8192xf32, #tpu.memory_space<vmem>>, vector<16xf32>,
        %add3A_155 = arith.constant 32 : i32
        %add3A_156 = arith.addi %mul3A_147, %add3A_155 : i32
        %get3A_157 = arith.index_cast %add3A_156 : i32 to index
        %get3A_158 = tpu.vector_load %arg14[%get3A_157] {strides = array<i32>} : memref<8192xf32, #tpu.memory_space<vmem>>, vector<16xf32>,
        %add3A_159 = arith.constant 48 : i32
        %add3A_160 = arith.addi %mul3A_147, %add3A_159 : i32
        %get3A_161 = arith.index_cast %add3A_160 : i32 to index
        %get3A_162 = tpu.vector_load %arg14[%get3A_161] {strides = array<i32>} : memref<8192xf32, #tpu.memory_space<vmem>>, vector<16xf32>,
        %add3A_163 = arith.addf %get3A_150, %get3A_154 : vector<16xf32>
        %add3A_164 = arith.addf %add3A_163, %get3A_158 : vector<16xf32>
        %add3A_165 = arith.addf %add3A_164, %get3A_162 : vector<16xf32>
        %reduce_sum3A = arith.constant true
        %reduce_sum3A_166 = vector.broadcast %reduce_sum3A : i1 to vector<16xi1>
        %reduce_sum3A_167 = tpu.scan <sum>, %add3A_165 masked %reduce_sum3A_166 : vector<16xf32>, vector<16xi1> -> vector<16xf32>
        %reduce_sum3A_168 = vector.extract %reduce_sum3A_167[15] : f32 from vector<16xf32>
        %broadcast_in_dim3A_169 = vector.broadcast %reduce_sum3A_168 : f32 to vector<16xf32>
        %div3A = arith.constant 1.000000e+00 : f32
        %div3A_170 = vector.broadcast %div3A : f32 to vector<16xf32>
        %div3A_171 = arith.divf %div3A_170, %broadcast_in_dim3A_169 : vector<16xf32>
        %slice3A = vector.extract_strided_slice %get3A_150 {offsets = [0], sizes = [1], strides = [1]} : vector<16xf32> to vector<1xf32>
        %squeeze3A = vector.extract %slice3A[0] : f32 from vector<1xf32>
        %mul3A_172 = arith.constant 50 : i32
        %mul3A_173 = arith.muli %scan3A_142, %mul3A_172 : i32
        %add3A_174 = arith.constant 0 : i32
        %add3A_175 = arith.addi %mul3A_173, %add3A_174 : i32
        %get3A_176 = arith.index_cast %add3A_175 : i32 to index
        %get3A_177 = arith.constant 0 : index
        %get3A_178 = tpu.vector_load %arg15[%get3A_176, %get3A_177] {strides = array<i32>} : memref<400x64xf32, #tpu.memory_space<vmem>>, vector<16xf32>,
        %mul3A_179 = vector.broadcast %squeeze3A : f32 to vector<16xf32>
        %mul3A_180 = arith.mulf %mul3A_179, %get3A_178 : vector<16xf32>
        %add3A_181 = arith.addf %broadcast_in_dim3A_40, %mul3A_180 : vector<16xf32>
        %get3A_182 = arith.index_cast %add3A_175 : i32 to index
        %get3A_183 = arith.constant 16 : index
        %get3A_184 = tpu.vector_load %arg15[%get3A_182, %get3A_183] {strides = array<i32>} : memref<400x64xf32, #tpu.memory_space<vmem>>, vector<16xf32>,
        %mul3A_185 = vector.broadcast %squeeze3A : f32 to vector<16xf32>
        %mul3A_186 = arith.mulf %mul3A_185, %get3A_184 : vector<16xf32>
        %add3A_187 = arith.addf %broadcast_in_dim3A_40, %mul3A_186 : vector<16xf32>
        %get3A_188 = arith.index_cast %add3A_175 : i32 to index
        %get3A_189 = arith.constant 32 : index
        %get3A_190 = tpu.vector_load %arg15[%get3A_188, %get3A_189] {strides = array<i32>} : memref<400x64xf32, #tpu.memory_space<vmem>>, vector<16xf32>,
        %mul3A_191 = vector.broadcast %squeeze3A : f32 to vector<16xf32>
        %mul3A_192 = arith.mulf %mul3A_191, %get3A_190 : vector<16xf32>
        %add3A_193 = arith.addf %broadcast_in_dim3A_40, %mul3A_192 : vector<16xf32>
        %get3A_194 = arith.index_cast %add3A_175 : i32 to index
        %get3A_195 = arith.constant 48 : index
        %get3A_196 = tpu.vector_load %arg15[%get3A_194, %get3A_195] {strides = array<i32>} : memref<400x64xf32, #tpu.memory_space<vmem>>, vector<16xf32>,
        %mul3A_197 = vector.broadcast %squeeze3A : f32 to vector<16xf32>
        %mul3A_198 = arith.mulf %mul3A_197, %get3A_196 : vector<16xf32>
        %add3A_199 = arith.addf %broadcast_in_dim3A_40, %mul3A_198 : vector<16xf32>
        %slice3A_200 = vector.extract_strided_slice %get3A_150 {offsets = [1], sizes = [1], strides = [1]} : vector<16xf32> to vector<1xf32>
        %squeeze3A_201 = vector.extract %slice3A_200[0] : f32 from vector<1xf32>
        %mul3A_202 = arith.constant 50 : i32
        %mul3A_203 = arith.muli %scan3A_142, %mul3A_202 : i32
        %add3A_204 = arith.constant 1 : i32
        %add3A_205 = arith.addi %mul3A_203, %add3A_204 : i32
        %get3A_206 = arith.index_cast %add3A_205 : i32 to index
        %get3A_207 = arith.constant 0 : index
        %get3A_208 = tpu.vector_load %arg15[%get3A_206, %get3A_207] {strides = array<i32>} : memref<400x64xf32, #tpu.memory_space<vmem>>, vector<16xf32>,
        %mul3A_209 = vector.broadcast %squeeze3A_201 : f32 to vector<16xf32>
        %mul3A_210 = arith.mulf %mul3A_209, %get3A_208 : vector<16xf32>
        %add3A_211 = arith.addf %add3A_181, %mul3A_210 : vector<16xf32>
        %get3A_212 = arith.index_cast %add3A_205 : i32 to index
        %get3A_213 = arith.constant 16 : index
        %get3A_214 = tpu.vector_load %arg15[%get3A_212, %get3A_213] {strides = array<i32>} : memref<400x64xf32, #tpu.memory_space<vmem>>, vector<16xf32>,
        %mul3A_215 = vector.broadcast %squeeze3A_201 : f32 to vector<16xf32>
        %mul3A_216 = arith.mulf %mul3A_215, %get3A_214 : vector<16xf32>
        %add3A_217 = arith.addf %add3A_187, %mul3A_216 : vector<16xf32>
        %get3A_218 = arith.index_cast %add3A_205 : i32 to index
        %get3A_219 = arith.constant 32 : index
        %get3A_220 = tpu.vector_load %arg15[%get3A_218, %get3A_219] {strides = array<i32>} : memref<400x64xf32, #tpu.memory_space<vmem>>, vector<16xf32>,
        %mul3A_221 = vector.broadcast %squeeze3A_201 : f32 to vector<16xf32>
        %mul3A_222 = arith.mulf %mul3A_221, %get3A_220 : vector<16xf32>
        %add3A_223 = arith.addf %add3A_193, %mul3A_222 : vector<16xf32>
        %get3A_224 = arith.index_cast %add3A_205 : i32 to index
        %get3A_225 = arith.constant 48 : index
        %get3A_226 = tpu.vector_load %arg15[%get3A_224, %get3A_225] {strides = array<i32>} : memref<400x64xf32, #tpu.memory_space<vmem>>, vector<16xf32>,
        %mul3A_227 = vector.broadcast %squeeze3A_201 : f32 to vector<16xf32>
        %mul3A_228 = arith.mulf %mul3A_227, %get3A_226 : vector<16xf32>
        %add3A_229 = arith.addf %add3A_199, %mul3A_228 : vector<16xf32>
        %slice3A_230 = vector.extract_strided_slice %get3A_150 {offsets = [2], sizes = [1], strides = [1]} : vector<16xf32> to vector<1xf32>
        %squeeze3A_231 = vector.extract %slice3A_230[0] : f32 from vector<1xf32>
        %mul3A_232 = arith.constant 50 : i32
        %mul3A_233 = arith.muli %scan3A_142, %mul3A_232 : i32
        %add3A_234 = arith.constant 2 : i32
        %add3A_235 = arith.addi %mul3A_233, %add3A_234 : i32
        %get3A_236 = arith.index_cast %add3A_235 : i32 to index
        %get3A_237 = arith.constant 0 : index
        %get3A_238 = tpu.vector_load %arg15[%get3A_236, %get3A_237] {strides = array<i32>} : memref<400x64xf32, #tpu.memory_space<vmem>>, vector<16xf32>,
        %mul3A_239 = vector.broadcast %squeeze3A_231 : f32 to vector<16xf32>
        %mul3A_240 = arith.mulf %mul3A_239, %get3A_238 : vector<16xf32>
        %add3A_241 = arith.addf %add3A_211, %mul3A_240 : vector<16xf32>
        %get3A_242 = arith.index_cast %add3A_235 : i32 to index
        %get3A_243 = arith.constant 16 : index
        %get3A_244 = tpu.vector_load %arg15[%get3A_242, %get3A_243] {strides = array<i32>} : memref<400x64xf32, #tpu.memory_space<vmem>>, vector<16xf32>,
        %mul3A_245 = vector.broadcast %squeeze3A_231 : f32 to vector<16xf32>
        %mul3A_246 = arith.mulf %mul3A_245, %get3A_244 : vector<16xf32>
        %add3A_247 = arith.addf %add3A_217, %mul3A_246 : vector<16xf32>
        %get3A_248 = arith.index_cast %add3A_235 : i32 to index
        %get3A_249 = arith.constant 32 : index
        %get3A_250 = tpu.vector_load %arg15[%get3A_248, %get3A_249] {strides = array<i32>} : memref<400x64xf32, #tpu.memory_space<vmem>>, vector<16xf32>,
        %mul3A_251 = vector.broadcast %squeeze3A_231 : f32 to vector<16xf32>
        %mul3A_252 = arith.mulf %mul3A_251, %get3A_250 : vector<16xf32>
        %add3A_253 = arith.addf %add3A_223, %mul3A_252 : vector<16xf32>
        %get3A_254 = arith.index_cast %add3A_235 : i32 to index
        %get3A_255 = arith.constant 48 : index
        %get3A_256 = tpu.vector_load %arg15[%get3A_254, %get3A_255] {strides = array<i32>} : memref<400x64xf32, #tpu.memory_space<vmem>>, vector<16xf32>,
        %mul3A_257 = vector.broadcast %squeeze3A_231 : f32 to vector<16xf32>
        %mul3A_258 = arith.mulf %mul3A_257, %get3A_256 : vector<16xf32>
        %add3A_259 = arith.addf %add3A_229, %mul3A_258 : vector<16xf32>
        %slice3A_260 = vector.extract_strided_slice %get3A_150 {offsets = [3], sizes = [1], strides = [1]} : vector<16xf32> to vector<1xf32>
        %squeeze3A_261 = vector.extract %slice3A_260[0] : f32 from vector<1xf32>
        %mul3A_262 = arith.constant 50 : i32
        %mul3A_263 = arith.muli %scan3A_142, %mul3A_262 : i32
        %add3A_264 = arith.constant 3 : i32
        %add3A_265 = arith.addi %mul3A_263, %add3A_264 : i32
        %get3A_266 = arith.index_cast %add3A_265 : i32 to index
        %get3A_267 = arith.constant 0 : index
        %get3A_268 = tpu.vector_load %arg15[%get3A_266, %get3A_267] {strides = array<i32>} : memref<400x64xf32, #tpu.memory_space<vmem>>, vector<16xf32>,
        %mul3A_269 = vector.broadcast %squeeze3A_261 : f32 to vector<16xf32>
        %mul3A_270 = arith.mulf %mul3A_269, %get3A_268 : vector<16xf32>
        %add3A_271 = arith.addf %add3A_241, %mul3A_270 : vector<16xf32>
        %get3A_272 = arith.index_cast %add3A_265 : i32 to index
        %get3A_273 = arith.constant 16 : index
        %get3A_274 = tpu.vector_load %arg15[%get3A_272, %get3A_273] {strides = array<i32>} : memref<400x64xf32, #tpu.memory_space<vmem>>, vector<16xf32>,
        %mul3A_275 = vector.broadcast %squeeze3A_261 : f32 to vector<16xf32>
        %mul3A_276 = arith.mulf %mul3A_275, %get3A_274 : vector<16xf32>
        %add3A_277 = arith.addf %add3A_247, %mul3A_276 : vector<16xf32>
        %get3A_278 = arith.index_cast %add3A_265 : i32 to index
        %get3A_279 = arith.constant 32 : index
        %get3A_280 = tpu.vector_load %arg15[%get3A_278, %get3A_279] {strides = array<i32>} : memref<400x64xf32, #tpu.memory_space<vmem>>, vector<16xf32>,
        %mul3A_281 = vector.broadcast %squeeze3A_261 : f32 to vector<16xf32>
        %mul3A_282 = arith.mulf %mul3A_281, %get3A_280 : vector<16xf32>
        %add3A_283 = arith.addf %add3A_253, %mul3A_282 : vector<16xf32>
        %get3A_284 = arith.index_cast %add3A_265 : i32 to index
        %get3A_285 = arith.constant 48 : index
        %get3A_286 = tpu.vector_load %arg15[%get3A_284, %get3A_285] {strides = array<i32>} : memref<400x64xf32, #tpu.memory_space<vmem>>, vector<16xf32>,
        %mul3A_287 = vector.broadcast %squeeze3A_261 : f32 to vector<16xf32>
        %mul3A_288 = arith.mulf %mul3A_287, %get3A_286 : vector<16xf32>
        %add3A_289 = arith.addf %add3A_259, %mul3A_288 : vector<16xf32>
        %slice3A_290 = vector.extract_strided_slice %get3A_150 {offsets = [4], sizes = [1], strides = [1]} : vector<16xf32> to vector<1xf32>
        %squeeze3A_291 = vector.extract %slice3A_290[0] : f32 from vector<1xf32>
        %mul3A_292 = arith.constant 50 : i32
        %mul3A_293 = arith.muli %scan3A_142, %mul3A_292 : i32
        %add3A_294 = arith.constant 4 : i32
        %add3A_295 = arith.addi %mul3A_293, %add3A_294 : i32
        %get3A_296 = arith.index_cast %add3A_295 : i32 to index
        %get3A_297 = arith.constant 0 : index
        %get3A_298 = tpu.vector_load %arg15[%get3A_296, %get3A_297] {strides = array<i32>} : memref<400x64xf32, #tpu.memory_space<vmem>>, vector<16xf32>,
        %mul3A_299 = vector.broadcast %squeeze3A_291 : f32 to vector<16xf32>
        %mul3A_300 = arith.mulf %mul3A_299, %get3A_298 : vector<16xf32>
        %add3A_301 = arith.addf %add3A_271, %mul3A_300 : vector<16xf32>
        %get3A_302 = arith.index_cast %add3A_295 : i32 to index
        %get3A_303 = arith.constant 16 : index
        %get3A_304 = tpu.vector_load %arg15[%get3A_302, %get3A_303] {strides = array<i32>} : memref<400x64xf32, #tpu.memory_space<vmem>>, vector<16xf32>,
        %mul3A_305 = vector.broadcast %squeeze3A_291 : f32 to vector<16xf32>
        %mul3A_306 = arith.mulf %mul3A_305, %get3A_304 : vector<16xf32>
        %add3A_307 = arith.addf %add3A_277, %mul3A_306 : vector<16xf32>
        %get3A_308 = arith.index_cast %add3A_295 : i32 to index
        %get3A_309 = arith.constant 32 : index
        %get3A_310 = tpu.vector_load %arg15[%get3A_308, %get3A_309] {strides = array<i32>} : memref<400x64xf32, #tpu.memory_space<vmem>>, vector<16xf32>,
        %mul3A_311 = vector.broadcast %squeeze3A_291 : f32 to vector<16xf32>
        %mul3A_312 = arith.mulf %mul3A_311, %get3A_310 : vector<16xf32>
        %add3A_313 = arith.addf %add3A_283, %mul3A_312 : vector<16xf32>
        %get3A_314 = arith.index_cast %add3A_295 : i32 to index
        %get3A_315 = arith.constant 48 : index
        %get3A_316 = tpu.vector_load %arg15[%get3A_314, %get3A_315] {strides = array<i32>} : memref<400x64xf32, #tpu.memory_space<vmem>>, vector<16xf32>,
        %mul3A_317 = vector.broadcast %squeeze3A_291 : f32 to vector<16xf32>
        %mul3A_318 = arith.mulf %mul3A_317, %get3A_316 : vector<16xf32>
        %add3A_319 = arith.addf %add3A_289, %mul3A_318 : vector<16xf32>
        %slice3A_320 = vector.extract_strided_slice %get3A_150 {offsets = [5], sizes = [1], strides = [1]} : vector<16xf32> to vector<1xf32>
        %squeeze3A_321 = vector.extract %slice3A_320[0] : f32 from vector<1xf32>
        %mul3A_322 = arith.constant 50 : i32
        %mul3A_323 = arith.muli %scan3A_142, %mul3A_322 : i32
        %add3A_324 = arith.constant 5 : i32
        %add3A_325 = arith.addi %mul3A_323, %add3A_324 : i32
        %get3A_326 = arith.index_cast %add3A_325 : i32 to index
        %get3A_327 = arith.constant 0 : index
        %get3A_328 = tpu.vector_load %arg15[%get3A_326, %get3A_327] {strides = array<i32>} : memref<400x64xf32, #tpu.memory_space<vmem>>, vector<16xf32>,
        %mul3A_329 = vector.broadcast %squeeze3A_321 : f32 to vector<16xf32>
        %mul3A_330 = arith.mulf %mul3A_329, %get3A_328 : vector<16xf32>
        %add3A_331 = arith.addf %add3A_301, %mul3A_330 : vector<16xf32>
        %get3A_332 = arith.index_cast %add3A_325 : i32 to index
        %get3A_333 = arith.constant 16 : index
        %get3A_334 = tpu.vector_load %arg15[%get3A_332, %get3A_333] {strides = array<i32>} : memref<400x64xf32, #tpu.memory_space<vmem>>, vector<16xf32>,
        %mul3A_335 = vector.broadcast %squeeze3A_321 : f32 to vector<16xf32>
        %mul3A_336 = arith.mulf %mul3A_335, %get3A_334 : vector<16xf32>
        %add3A_337 = arith.addf %add3A_307, %mul3A_336 : vector<16xf32>
        %get3A_338 = arith.index_cast %add3A_325 : i32 to index
        %get3A_339 = arith.constant 32 : index
        %get3A_340 = tpu.vector_load %arg15[%get3A_338, %get3A_339] {strides = array<i32>} : memref<400x64xf32, #tpu.memory_space<vmem>>, vector<16xf32>,
        %mul3A_341 = vector.broadcast %squeeze3A_321 : f32 to vector<16xf32>
        %mul3A_342 = arith.mulf %mul3A_341, %get3A_340 : vector<16xf32>
        %add3A_343 = arith.addf %add3A_313, %mul3A_342 : vector<16xf32>
        %get3A_344 = arith.index_cast %add3A_325 : i32 to index
        %get3A_345 = arith.constant 48 : index
        %get3A_346 = tpu.vector_load %arg15[%get3A_344, %get3A_345] {strides = array<i32>} : memref<400x64xf32, #tpu.memory_space<vmem>>, vector<16xf32>,
        %mul3A_347 = vector.broadcast %squeeze3A_321 : f32 to vector<16xf32>
        %mul3A_348 = arith.mulf %mul3A_347, %get3A_346 : vector<16xf32>
        %add3A_349 = arith.addf %add3A_319, %mul3A_348 : vector<16xf32>
        %slice3A_350 = vector.extract_strided_slice %get3A_150 {offsets = [6], sizes = [1], strides = [1]} : vector<16xf32> to vector<1xf32>
        %squeeze3A_351 = vector.extract %slice3A_350[0] : f32 from vector<1xf32>
        %mul3A_352 = arith.constant 50 : i32
        %mul3A_353 = arith.muli %scan3A_142, %mul3A_352 : i32
        %add3A_354 = arith.constant 6 : i32
        %add3A_355 = arith.addi %mul3A_353, %add3A_354 : i32
        %get3A_356 = arith.index_cast %add3A_355 : i32 to index
        %get3A_357 = arith.constant 0 : index
        %get3A_358 = tpu.vector_load %arg15[%get3A_356, %get3A_357] {strides = array<i32>} : memref<400x64xf32, #tpu.memory_space<vmem>>, vector<16xf32>,
        %mul3A_359 = vector.broadcast %squeeze3A_351 : f32 to vector<16xf32>
        %mul3A_360 = arith.mulf %mul3A_359, %get3A_358 : vector<16xf32>
        %add3A_361 = arith.addf %add3A_331, %mul3A_360 : vector<16xf32>
        %get3A_362 = arith.index_cast %add3A_355 : i32 to index
        %get3A_363 = arith.constant 16 : index
        %get3A_364 = tpu.vector_load %arg15[%get3A_362, %get3A_363] {strides = array<i32>} : memref<400x64xf32, #tpu.memory_space<vmem>>, vector<16xf32>,
        %mul3A_365 = vector.broadcast %squeeze3A_351 : f32 to vector<16xf32>
        %mul3A_366 = arith.mulf %mul3A_365, %get3A_364 : vector<16xf32>
        %add3A_367 = arith.addf %add3A_337, %mul3A_366 : vector<16xf32>
        %get3A_368 = arith.index_cast %add3A_355 : i32 to index
        %get3A_369 = arith.constant 32 : index
        %get3A_370 = tpu.vector_load %arg15[%get3A_368, %get3A_369] {strides = array<i32>} : memref<400x64xf32, #tpu.memory_space<vmem>>, vector<16xf32>,
        %mul3A_371 = vector.broadcast %squeeze3A_351 : f32 to vector<16xf32>
        %mul3A_372 = arith.mulf %mul3A_371, %get3A_370 : vector<16xf32>
        %add3A_373 = arith.addf %add3A_343, %mul3A_372 : vector<16xf32>
        %get3A_374 = arith.index_cast %add3A_355 : i32 to index
        %get3A_375 = arith.constant 48 : index
        %get3A_376 = tpu.vector_load %arg15[%get3A_374, %get3A_375] {strides = array<i32>} : memref<400x64xf32, #tpu.memory_space<vmem>>, vector<16xf32>,
        %mul3A_377 = vector.broadcast %squeeze3A_351 : f32 to vector<16xf32>
        %mul3A_378 = arith.mulf %mul3A_377, %get3A_376 : vector<16xf32>
        %add3A_379 = arith.addf %add3A_349, %mul3A_378 : vector<16xf32>
        %slice3A_380 = vector.extract_strided_slice %get3A_150 {offsets = [7], sizes = [1], strides = [1]} : vector<16xf32> to vector<1xf32>
        %squeeze3A_381 = vector.extract %slice3A_380[0] : f32 from vector<1xf32>
        %mul3A_382 = arith.constant 50 : i32
        %mul3A_383 = arith.muli %scan3A_142, %mul3A_382 : i32
        %add3A_384 = arith.constant 7 : i32
        %add3A_385 = arith.addi %mul3A_383, %add3A_384 : i32
        %get3A_386 = arith.index_cast %add3A_385 : i32 to index
        %get3A_387 = arith.constant 0 : index
        %get3A_388 = tpu.vector_load %arg15[%get3A_386, %get3A_387] {strides = array<i32>} : memref<400x64xf32, #tpu.memory_space<vmem>>, vector<16xf32>,
        %mul3A_389 = vector.broadcast %squeeze3A_381 : f32 to vector<16xf32>
        %mul3A_390 = arith.mulf %mul3A_389, %get3A_388 : vector<16xf32>
        %add3A_391 = arith.addf %add3A_361, %mul3A_390 : vector<16xf32>
        %get3A_392 = arith.index_cast %add3A_385 : i32 to index
        %get3A_393 = arith.constant 16 : index
        %get3A_394 = tpu.vector_load %arg15[%get3A_392, %get3A_393] {strides = array<i32>} : memref<400x64xf32, #tpu.memory_space<vmem>>, vector<16xf32>,
        %mul3A_395 = vector.broadcast %squeeze3A_381 : f32 to vector<16xf32>
        %mul3A_396 = arith.mulf %mul3A_395, %get3A_394 : vector<16xf32>
        %add3A_397 = arith.addf %add3A_367, %mul3A_396 : vector<16xf32>
        %get3A_398 = arith.index_cast %add3A_385 : i32 to index
        %get3A_399 = arith.constant 32 : index
        %get3A_400 = tpu.vector_load %arg15[%get3A_398, %get3A_399] {strides = array<i32>} : memref<400x64xf32, #tpu.memory_space<vmem>>, vector<16xf32>,
        %mul3A_401 = vector.broadcast %squeeze3A_381 : f32 to vector<16xf32>
        %mul3A_402 = arith.mulf %mul3A_401, %get3A_400 : vector<16xf32>
        %add3A_403 = arith.addf %add3A_373, %mul3A_402 : vector<16xf32>
        %get3A_404 = arith.index_cast %add3A_385 : i32 to index
        %get3A_405 = arith.constant 48 : index
        %get3A_406 = tpu.vector_load %arg15[%get3A_404, %get3A_405] {strides = array<i32>} : memref<400x64xf32, #tpu.memory_space<vmem>>, vector<16xf32>,
        %mul3A_407 = vector.broadcast %squeeze3A_381 : f32 to vector<16xf32>
        %mul3A_408 = arith.mulf %mul3A_407, %get3A_406 : vector<16xf32>
        %add3A_409 = arith.addf %add3A_379, %mul3A_408 : vector<16xf32>
        %slice3A_410 = vector.extract_strided_slice %get3A_150 {offsets = [8], sizes = [1], strides = [1]} : vector<16xf32> to vector<1xf32>
        %squeeze3A_411 = vector.extract %slice3A_410[0] : f32 from vector<1xf32>
        %mul3A_412 = arith.constant 50 : i32
        %mul3A_413 = arith.muli %scan3A_142, %mul3A_412 : i32
        %add3A_414 = arith.constant 8 : i32
        %add3A_415 = arith.addi %mul3A_413, %add3A_414 : i32
        %get3A_416 = arith.index_cast %add3A_415 : i32 to index
        %get3A_417 = arith.constant 0 : index
        %get3A_418 = tpu.vector_load %arg15[%get3A_416, %get3A_417] {strides = array<i32>} : memref<400x64xf32, #tpu.memory_space<vmem>>, vector<16xf32>,
        %mul3A_419 = vector.broadcast %squeeze3A_411 : f32 to vector<16xf32>
        %mul3A_420 = arith.mulf %mul3A_419, %get3A_418 : vector<16xf32>
        %add3A_421 = arith.addf %add3A_391, %mul3A_420 : vector<16xf32>
        %get3A_422 = arith.index_cast %add3A_415 : i32 to index
        %get3A_423 = arith.constant 16 : index
        %get3A_424 = tpu.vector_load %arg15[%get3A_422, %get3A_423] {strides = array<i32>} : memref<400x64xf32, #tpu.memory_space<vmem>>, vector<16xf32>,
        %mul3A_425 = vector.broadcast %squeeze3A_411 : f32 to vector<16xf32>
        %mul3A_426 = arith.mulf %mul3A_425, %get3A_424 : vector<16xf32>
        %add3A_427 = arith.addf %add3A_397, %mul3A_426 : vector<16xf32>
        %get3A_428 = arith.index_cast %add3A_415 : i32 to index
        %get3A_429 = arith.constant 32 : index
        %get3A_430 = tpu.vector_load %arg15[%get3A_428, %get3A_429] {strides = array<i32>} : memref<400x64xf32, #tpu.memory_space<vmem>>, vector<16xf32>,
        %mul3A_431 = vector.broadcast %squeeze3A_411 : f32 to vector<16xf32>
        %mul3A_432 = arith.mulf %mul3A_431, %get3A_430 : vector<16xf32>
        %add3A_433 = arith.addf %add3A_403, %mul3A_432 : vector<16xf32>
        %get3A_434 = arith.index_cast %add3A_415 : i32 to index
        %get3A_435 = arith.constant 48 : index
        %get3A_436 = tpu.vector_load %arg15[%get3A_434, %get3A_435] {strides = array<i32>} : memref<400x64xf32, #tpu.memory_space<vmem>>, vector<16xf32>,
        %mul3A_437 = vector.broadcast %squeeze3A_411 : f32 to vector<16xf32>
        %mul3A_438 = arith.mulf %mul3A_437, %get3A_436 : vector<16xf32>
        %add3A_439 = arith.addf %add3A_409, %mul3A_438 : vector<16xf32>
        %slice3A_440 = vector.extract_strided_slice %get3A_150 {offsets = [9], sizes = [1], strides = [1]} : vector<16xf32> to vector<1xf32>
        %squeeze3A_441 = vector.extract %slice3A_440[0] : f32 from vector<1xf32>
        %mul3A_442 = arith.constant 50 : i32
        %mul3A_443 = arith.muli %scan3A_142, %mul3A_442 : i32
        %add3A_444 = arith.constant 9 : i32
        %add3A_445 = arith.addi %mul3A_443, %add3A_444 : i32
        %get3A_446 = arith.index_cast %add3A_445 : i32 to index
        %get3A_447 = arith.constant 0 : index
        %get3A_448 = tpu.vector_load %arg15[%get3A_446, %get3A_447] {strides = array<i32>} : memref<400x64xf32, #tpu.memory_space<vmem>>, vector<16xf32>,
        %mul3A_449 = vector.broadcast %squeeze3A_441 : f32 to vector<16xf32>
        %mul3A_450 = arith.mulf %mul3A_449, %get3A_448 : vector<16xf32>
        %add3A_451 = arith.addf %add3A_421, %mul3A_450 : vector<16xf32>
        %get3A_452 = arith.index_cast %add3A_445 : i32 to index
        %get3A_453 = arith.constant 16 : index
        %get3A_454 = tpu.vector_load %arg15[%get3A_452, %get3A_453] {strides = array<i32>} : memref<400x64xf32, #tpu.memory_space<vmem>>, vector<16xf32>,
        %mul3A_455 = vector.broadcast %squeeze3A_441 : f32 to vector<16xf32>
        %mul3A_456 = arith.mulf %mul3A_455, %get3A_454 : vector<16xf32>
        %add3A_457 = arith.addf %add3A_427, %mul3A_456 : vector<16xf32>
        %get3A_458 = arith.index_cast %add3A_445 : i32 to index
        %get3A_459 = arith.constant 32 : index
        %get3A_460 = tpu.vector_load %arg15[%get3A_458, %get3A_459] {strides = array<i32>} : memref<400x64xf32, #tpu.memory_space<vmem>>, vector<16xf32>,
        %mul3A_461 = vector.broadcast %squeeze3A_441 : f32 to vector<16xf32>
        %mul3A_462 = arith.mulf %mul3A_461, %get3A_460 : vector<16xf32>
        %add3A_463 = arith.addf %add3A_433, %mul3A_462 : vector<16xf32>
        %get3A_464 = arith.index_cast %add3A_445 : i32 to index
        %get3A_465 = arith.constant 48 : index
        %get3A_466 = tpu.vector_load %arg15[%get3A_464, %get3A_465] {strides = array<i32>} : memref<400x64xf32, #tpu.memory_space<vmem>>, vector<16xf32>,
        %mul3A_467 = vector.broadcast %squeeze3A_441 : f32 to vector<16xf32>
        %mul3A_468 = arith.mulf %mul3A_467, %get3A_466 : vector<16xf32>
        %add3A_469 = arith.addf %add3A_439, %mul3A_468 : vector<16xf32>
        %slice3A_470 = vector.extract_strided_slice %get3A_150 {offsets = [10], sizes = [1], strides = [1]} : vector<16xf32> to vector<1xf32>
        %squeeze3A_471 = vector.extract %slice3A_470[0] : f32 from vector<1xf32>
        %mul3A_472 = arith.constant 50 : i32
        %mul3A_473 = arith.muli %scan3A_142, %mul3A_472 : i32
        %add3A_474 = arith.constant 10 : i32
        %add3A_475 = arith.addi %mul3A_473, %add3A_474 : i32
        %get3A_476 = arith.index_cast %add3A_475 : i32 to index
        %get3A_477 = arith.constant 0 : index
        %get3A_478 = tpu.vector_load %arg15[%get3A_476, %get3A_477] {strides = array<i32>} : memref<400x64xf32, #tpu.memory_space<vmem>>, vector<16xf32>,
        %mul3A_479 = vector.broadcast %squeeze3A_471 : f32 to vector<16xf32>
        %mul3A_480 = arith.mulf %mul3A_479, %get3A_478 : vector<16xf32>
        %add3A_481 = arith.addf %add3A_451, %mul3A_480 : vector<16xf32>
        %get3A_482 = arith.index_cast %add3A_475 : i32 to index
        %get3A_483 = arith.constant 16 : index
        %get3A_484 = tpu.vector_load %arg15[%get3A_482, %get3A_483] {strides = array<i32>} : memref<400x64xf32, #tpu.memory_space<vmem>>, vector<16xf32>,
        %mul3A_485 = vector.broadcast %squeeze3A_471 : f32 to vector<16xf32>
        %mul3A_486 = arith.mulf %mul3A_485, %get3A_484 : vector<16xf32>
        %add3A_487 = arith.addf %add3A_457, %mul3A_486 : vector<16xf32>
        %get3A_488 = arith.index_cast %add3A_475 : i32 to index
        %get3A_489 = arith.constant 32 : index
        %get3A_490 = tpu.vector_load %arg15[%get3A_488, %get3A_489] {strides = array<i32>} : memref<400x64xf32, #tpu.memory_space<vmem>>, vector<16xf32>,
        %mul3A_491 = vector.broadcast %squeeze3A_471 : f32 to vector<16xf32>
        %mul3A_492 = arith.mulf %mul3A_491, %get3A_490 : vector<16xf32>
        %add3A_493 = arith.addf %add3A_463, %mul3A_492 : vector<16xf32>
        %get3A_494 = arith.index_cast %add3A_475 : i32 to index
        %get3A_495 = arith.constant 48 : index
        %get3A_496 = tpu.vector_load %arg15[%get3A_494, %get3A_495] {strides = array<i32>} : memref<400x64xf32, #tpu.memory_space<vmem>>, vector<16xf32>,
        %mul3A_497 = vector.broadcast %squeeze3A_471 : f32 to vector<16xf32>
        %mul3A_498 = arith.mulf %mul3A_497, %get3A_496 : vector<16xf32>
        %add3A_499 = arith.addf %add3A_469, %mul3A_498 : vector<16xf32>
        %slice3A_500 = vector.extract_strided_slice %get3A_150 {offsets = [11], sizes = [1], strides = [1]} : vector<16xf32> to vector<1xf32>
        %squeeze3A_501 = vector.extract %slice3A_500[0] : f32 from vector<1xf32>
        %mul3A_502 = arith.constant 50 : i32
        %mul3A_503 = arith.muli %scan3A_142, %mul3A_502 : i32
        %add3A_504 = arith.constant 11 : i32
        %add3A_505 = arith.addi %mul3A_503, %add3A_504 : i32
        %get3A_506 = arith.index_cast %add3A_505 : i32 to index
        %get3A_507 = arith.constant 0 : index
        %get3A_508 = tpu.vector_load %arg15[%get3A_506, %get3A_507] {strides = array<i32>} : memref<400x64xf32, #tpu.memory_space<vmem>>, vector<16xf32>,
        %mul3A_509 = vector.broadcast %squeeze3A_501 : f32 to vector<16xf32>
        %mul3A_510 = arith.mulf %mul3A_509, %get3A_508 : vector<16xf32>
        %add3A_511 = arith.addf %add3A_481, %mul3A_510 : vector<16xf32>
        %get3A_512 = arith.index_cast %add3A_505 : i32 to index
        %get3A_513 = arith.constant 16 : index
        %get3A_514 = tpu.vector_load %arg15[%get3A_512, %get3A_513] {strides = array<i32>} : memref<400x64xf32, #tpu.memory_space<vmem>>, vector<16xf32>,
        %mul3A_515 = vector.broadcast %squeeze3A_501 : f32 to vector<16xf32>
        %mul3A_516 = arith.mulf %mul3A_515, %get3A_514 : vector<16xf32>
        %add3A_517 = arith.addf %add3A_487, %mul3A_516 : vector<16xf32>
        %get3A_518 = arith.index_cast %add3A_505 : i32 to index
        %get3A_519 = arith.constant 32 : index
        %get3A_520 = tpu.vector_load %arg15[%get3A_518, %get3A_519] {strides = array<i32>} : memref<400x64xf32, #tpu.memory_space<vmem>>, vector<16xf32>,
        %mul3A_521 = vector.broadcast %squeeze3A_501 : f32 to vector<16xf32>
        %mul3A_522 = arith.mulf %mul3A_521, %get3A_520 : vector<16xf32>
        %add3A_523 = arith.addf %add3A_493, %mul3A_522 : vector<16xf32>
        %get3A_524 = arith.index_cast %add3A_505 : i32 to index
        %get3A_525 = arith.constant 48 : index
        %get3A_526 = tpu.vector_load %arg15[%get3A_524, %get3A_525] {strides = array<i32>} : memref<400x64xf32, #tpu.memory_space<vmem>>, vector<16xf32>,
        %mul3A_527 = vector.broadcast %squeeze3A_501 : f32 to vector<16xf32>
        %mul3A_528 = arith.mulf %mul3A_527, %get3A_526 : vector<16xf32>
        %add3A_529 = arith.addf %add3A_499, %mul3A_528 : vector<16xf32>
        %slice3A_530 = vector.extract_strided_slice %get3A_150 {offsets = [12], sizes = [1], strides = [1]} : vector<16xf32> to vector<1xf32>
        %squeeze3A_531 = vector.extract %slice3A_530[0] : f32 from vector<1xf32>
        %mul3A_532 = arith.constant 50 : i32
        %mul3A_533 = arith.muli %scan3A_142, %mul3A_532 : i32
        %add3A_534 = arith.constant 12 : i32
        %add3A_535 = arith.addi %mul3A_533, %add3A_534 : i32
        %get3A_536 = arith.index_cast %add3A_535 : i32 to index
        %get3A_537 = arith.constant 0 : index
        %get3A_538 = tpu.vector_load %arg15[%get3A_536, %get3A_537] {strides = array<i32>} : memref<400x64xf32, #tpu.memory_space<vmem>>, vector<16xf32>,
        %mul3A_539 = vector.broadcast %squeeze3A_531 : f32 to vector<16xf32>
        %mul3A_540 = arith.mulf %mul3A_539, %get3A_538 : vector<16xf32>
        %add3A_541 = arith.addf %add3A_511, %mul3A_540 : vector<16xf32>
        %get3A_542 = arith.index_cast %add3A_535 : i32 to index
        %get3A_543 = arith.constant 16 : index
        %get3A_544 = tpu.vector_load %arg15[%get3A_542, %get3A_543] {strides = array<i32>} : memref<400x64xf32, #tpu.memory_space<vmem>>, vector<16xf32>,
        %mul3A_545 = vector.broadcast %squeeze3A_531 : f32 to vector<16xf32>
        %mul3A_546 = arith.mulf %mul3A_545, %get3A_544 : vector<16xf32>
        %add3A_547 = arith.addf %add3A_517, %mul3A_546 : vector<16xf32>
        %get3A_548 = arith.index_cast %add3A_535 : i32 to index
        %get3A_549 = arith.constant 32 : index
        %get3A_550 = tpu.vector_load %arg15[%get3A_548, %get3A_549] {strides = array<i32>} : memref<400x64xf32, #tpu.memory_space<vmem>>, vector<16xf32>,
        %mul3A_551 = vector.broadcast %squeeze3A_531 : f32 to vector<16xf32>
        %mul3A_552 = arith.mulf %mul3A_551, %get3A_550 : vector<16xf32>
        %add3A_553 = arith.addf %add3A_523, %mul3A_552 : vector<16xf32>
        %get3A_554 = arith.index_cast %add3A_535 : i32 to index
        %get3A_555 = arith.constant 48 : index
        %get3A_556 = tpu.vector_load %arg15[%get3A_554, %get3A_555] {strides = array<i32>} : memref<400x64xf32, #tpu.memory_space<vmem>>, vector<16xf32>,
        %mul3A_557 = vector.broadcast %squeeze3A_531 : f32 to vector<16xf32>
        %mul3A_558 = arith.mulf %mul3A_557, %get3A_556 : vector<16xf32>
        %add3A_559 = arith.addf %add3A_529, %mul3A_558 : vector<16xf32>
        %slice3A_560 = vector.extract_strided_slice %get3A_150 {offsets = [13], sizes = [1], strides = [1]} : vector<16xf32> to vector<1xf32>
        %squeeze3A_561 = vector.extract %slice3A_560[0] : f32 from vector<1xf32>
        %mul3A_562 = arith.constant 50 : i32
        %mul3A_563 = arith.muli %scan3A_142, %mul3A_562 : i32
        %add3A_564 = arith.constant 13 : i32
        %add3A_565 = arith.addi %mul3A_563, %add3A_564 : i32
        %get3A_566 = arith.index_cast %add3A_565 : i32 to index
        %get3A_567 = arith.constant 0 : index
        %get3A_568 = tpu.vector_load %arg15[%get3A_566, %get3A_567] {strides = array<i32>} : memref<400x64xf32, #tpu.memory_space<vmem>>, vector<16xf32>,
        %mul3A_569 = vector.broadcast %squeeze3A_561 : f32 to vector<16xf32>
        %mul3A_570 = arith.mulf %mul3A_569, %get3A_568 : vector<16xf32>
        %add3A_571 = arith.addf %add3A_541, %mul3A_570 : vector<16xf32>
        %get3A_572 = arith.index_cast %add3A_565 : i32 to index
        %get3A_573 = arith.constant 16 : index
        %get3A_574 = tpu.vector_load %arg15[%get3A_572, %get3A_573] {strides = array<i32>} : memref<400x64xf32, #tpu.memory_space<vmem>>, vector<16xf32>,
        %mul3A_575 = vector.broadcast %squeeze3A_561 : f32 to vector<16xf32>
        %mul3A_576 = arith.mulf %mul3A_575, %get3A_574 : vector<16xf32>
        %add3A_577 = arith.addf %add3A_547, %mul3A_576 : vector<16xf32>
        %get3A_578 = arith.index_cast %add3A_565 : i32 to index
        %get3A_579 = arith.constant 32 : index
        %get3A_580 = tpu.vector_load %arg15[%get3A_578, %get3A_579] {strides = array<i32>} : memref<400x64xf32, #tpu.memory_space<vmem>>, vector<16xf32>,
        %mul3A_581 = vector.broadcast %squeeze3A_561 : f32 to vector<16xf32>
        %mul3A_582 = arith.mulf %mul3A_581, %get3A_580 : vector<16xf32>
        %add3A_583 = arith.addf %add3A_553, %mul3A_582 : vector<16xf32>
        %get3A_584 = arith.index_cast %add3A_565 : i32 to index
        %get3A_585 = arith.constant 48 : index
        %get3A_586 = tpu.vector_load %arg15[%get3A_584, %get3A_585] {strides = array<i32>} : memref<400x64xf32, #tpu.memory_space<vmem>>, vector<16xf32>,
        %mul3A_587 = vector.broadcast %squeeze3A_561 : f32 to vector<16xf32>
        %mul3A_588 = arith.mulf %mul3A_587, %get3A_586 : vector<16xf32>
        %add3A_589 = arith.addf %add3A_559, %mul3A_588 : vector<16xf32>
        %slice3A_590 = vector.extract_strided_slice %get3A_150 {offsets = [14], sizes = [1], strides = [1]} : vector<16xf32> to vector<1xf32>
        %squeeze3A_591 = vector.extract %slice3A_590[0] : f32 from vector<1xf32>
        %mul3A_592 = arith.constant 50 : i32
        %mul3A_593 = arith.muli %scan3A_142, %mul3A_592 : i32
        %add3A_594 = arith.constant 14 : i32
        %add3A_595 = arith.addi %mul3A_593, %add3A_594 : i32
        %get3A_596 = arith.index_cast %add3A_595 : i32 to index
        %get3A_597 = arith.constant 0 : index
        %get3A_598 = tpu.vector_load %arg15[%get3A_596, %get3A_597] {strides = array<i32>} : memref<400x64xf32, #tpu.memory_space<vmem>>, vector<16xf32>,
        %mul3A_599 = vector.broadcast %squeeze3A_591 : f32 to vector<16xf32>
        %mul3A_600 = arith.mulf %mul3A_599, %get3A_598 : vector<16xf32>
        %add3A_601 = arith.addf %add3A_571, %mul3A_600 : vector<16xf32>
        %get3A_602 = arith.index_cast %add3A_595 : i32 to index
        %get3A_603 = arith.constant 16 : index
        %get3A_604 = tpu.vector_load %arg15[%get3A_602, %get3A_603] {strides = array<i32>} : memref<400x64xf32, #tpu.memory_space<vmem>>, vector<16xf32>,
        %mul3A_605 = vector.broadcast %squeeze3A_591 : f32 to vector<16xf32>
        %mul3A_606 = arith.mulf %mul3A_605, %get3A_604 : vector<16xf32>
        %add3A_607 = arith.addf %add3A_577, %mul3A_606 : vector<16xf32>
        %get3A_608 = arith.index_cast %add3A_595 : i32 to index
        %get3A_609 = arith.constant 32 : index
        %get3A_610 = tpu.vector_load %arg15[%get3A_608, %get3A_609] {strides = array<i32>} : memref<400x64xf32, #tpu.memory_space<vmem>>, vector<16xf32>,
        %mul3A_611 = vector.broadcast %squeeze3A_591 : f32 to vector<16xf32>
        %mul3A_612 = arith.mulf %mul3A_611, %get3A_610 : vector<16xf32>
        %add3A_613 = arith.addf %add3A_583, %mul3A_612 : vector<16xf32>
        %get3A_614 = arith.index_cast %add3A_595 : i32 to index
        %get3A_615 = arith.constant 48 : index
        %get3A_616 = tpu.vector_load %arg15[%get3A_614, %get3A_615] {strides = array<i32>} : memref<400x64xf32, #tpu.memory_space<vmem>>, vector<16xf32>,
        %mul3A_617 = vector.broadcast %squeeze3A_591 : f32 to vector<16xf32>
        %mul3A_618 = arith.mulf %mul3A_617, %get3A_616 : vector<16xf32>
        %add3A_619 = arith.addf %add3A_589, %mul3A_618 : vector<16xf32>
        %slice3A_620 = vector.extract_strided_slice %get3A_150 {offsets = [15], sizes = [1], strides = [1]} : vector<16xf32> to vector<1xf32>
        %squeeze3A_621 = vector.extract %slice3A_620[0] : f32 from vector<1xf32>
        %mul3A_622 = arith.constant 50 : i32
        %mul3A_623 = arith.muli %scan3A_142, %mul3A_622 : i32
        %add3A_624 = arith.constant 15 : i32
        %add3A_625 = arith.addi %mul3A_623, %add3A_624 : i32
        %get3A_626 = arith.index_cast %add3A_625 : i32 to index
        %get3A_627 = arith.constant 0 : index
        %get3A_628 = tpu.vector_load %arg15[%get3A_626, %get3A_627] {strides = array<i32>} : memref<400x64xf32, #tpu.memory_space<vmem>>, vector<16xf32>,
        %mul3A_629 = vector.broadcast %squeeze3A_621 : f32 to vector<16xf32>
        %mul3A_630 = arith.mulf %mul3A_629, %get3A_628 : vector<16xf32>
        %add3A_631 = arith.addf %add3A_601, %mul3A_630 : vector<16xf32>
        %get3A_632 = arith.index_cast %add3A_625 : i32 to index
        %get3A_633 = arith.constant 16 : index
        %get3A_634 = tpu.vector_load %arg15[%get3A_632, %get3A_633] {strides = array<i32>} : memref<400x64xf32, #tpu.memory_space<vmem>>, vector<16xf32>,
        %mul3A_635 = vector.broadcast %squeeze3A_621 : f32 to vector<16xf32>
        %mul3A_636 = arith.mulf %mul3A_635, %get3A_634 : vector<16xf32>
        %add3A_637 = arith.addf %add3A_607, %mul3A_636 : vector<16xf32>
        %get3A_638 = arith.index_cast %add3A_625 : i32 to index
        %get3A_639 = arith.constant 32 : index
        %get3A_640 = tpu.vector_load %arg15[%get3A_638, %get3A_639] {strides = array<i32>} : memref<400x64xf32, #tpu.memory_space<vmem>>, vector<16xf32>,
        %mul3A_641 = vector.broadcast %squeeze3A_621 : f32 to vector<16xf32>
        %mul3A_642 = arith.mulf %mul3A_641, %get3A_640 : vector<16xf32>
        %add3A_643 = arith.addf %add3A_613, %mul3A_642 : vector<16xf32>
        %get3A_644 = arith.index_cast %add3A_625 : i32 to index
        %get3A_645 = arith.constant 48 : index
        %get3A_646 = tpu.vector_load %arg15[%get3A_644, %get3A_645] {strides = array<i32>} : memref<400x64xf32, #tpu.memory_space<vmem>>, vector<16xf32>,
        %mul3A_647 = vector.broadcast %squeeze3A_621 : f32 to vector<16xf32>
        %mul3A_648 = arith.mulf %mul3A_647, %get3A_646 : vector<16xf32>
        %add3A_649 = arith.addf %add3A_619, %mul3A_648 : vector<16xf32>
        %slice3A_650 = vector.extract_strided_slice %get3A_154 {offsets = [0], sizes = [1], strides = [1]} : vector<16xf32> to vector<1xf32>
        %squeeze3A_651 = vector.extract %slice3A_650[0] : f32 from vector<1xf32>
        %mul3A_652 = arith.constant 50 : i32
        %mul3A_653 = arith.muli %scan3A_142, %mul3A_652 : i32
        %add3A_654 = arith.constant 16 : i32
        %add3A_655 = arith.addi %mul3A_653, %add3A_654 : i32
        %get3A_656 = arith.index_cast %add3A_655 : i32 to index
        %get3A_657 = arith.constant 0 : index
        %get3A_658 = tpu.vector_load %arg15[%get3A_656, %get3A_657] {strides = array<i32>} : memref<400x64xf32, #tpu.memory_space<vmem>>, vector<16xf32>,
        %mul3A_659 = vector.broadcast %squeeze3A_651 : f32 to vector<16xf32>
        %mul3A_660 = arith.mulf %mul3A_659, %get3A_658 : vector<16xf32>
        %add3A_661 = arith.addf %add3A_631, %mul3A_660 : vector<16xf32>
        %get3A_662 = arith.index_cast %add3A_655 : i32 to index
        %get3A_663 = arith.constant 16 : index
        %get3A_664 = tpu.vector_load %arg15[%get3A_662, %get3A_663] {strides = array<i32>} : memref<400x64xf32, #tpu.memory_space<vmem>>, vector<16xf32>,
        %mul3A_665 = vector.broadcast %squeeze3A_651 : f32 to vector<16xf32>
        %mul3A_666 = arith.mulf %mul3A_665, %get3A_664 : vector<16xf32>
        %add3A_667 = arith.addf %add3A_637, %mul3A_666 : vector<16xf32>
        %get3A_668 = arith.index_cast %add3A_655 : i32 to index
        %get3A_669 = arith.constant 32 : index
        %get3A_670 = tpu.vector_load %arg15[%get3A_668, %get3A_669] {strides = array<i32>} : memref<400x64xf32, #tpu.memory_space<vmem>>, vector<16xf32>,
        %mul3A_671 = vector.broadcast %squeeze3A_651 : f32 to vector<16xf32>
        %mul3A_672 = arith.mulf %mul3A_671, %get3A_670 : vector<16xf32>
        %add3A_673 = arith.addf %add3A_643, %mul3A_672 : vector<16xf32>
        %get3A_674 = arith.index_cast %add3A_655 : i32 to index
        %get3A_675 = arith.constant 48 : index
        %get3A_676 = tpu.vector_load %arg15[%get3A_674, %get3A_675] {strides = array<i32>} : memref<400x64xf32, #tpu.memory_space<vmem>>, vector<16xf32>,
        %mul3A_677 = vector.broadcast %squeeze3A_651 : f32 to vector<16xf32>
        %mul3A_678 = arith.mulf %mul3A_677, %get3A_676 : vector<16xf32>
        %add3A_679 = arith.addf %add3A_649, %mul3A_678 : vector<16xf32>
        %slice3A_680 = vector.extract_strided_slice %get3A_154 {offsets = [1], sizes = [1], strides = [1]} : vector<16xf32> to vector<1xf32>
        %squeeze3A_681 = vector.extract %slice3A_680[0] : f32 from vector<1xf32>
        %mul3A_682 = arith.constant 50 : i32
        %mul3A_683 = arith.muli %scan3A_142, %mul3A_682 : i32
        %add3A_684 = arith.constant 17 : i32
        %add3A_685 = arith.addi %mul3A_683, %add3A_684 : i32
        %get3A_686 = arith.index_cast %add3A_685 : i32 to index
        %get3A_687 = arith.constant 0 : index
        %get3A_688 = tpu.vector_load %arg15[%get3A_686, %get3A_687] {strides = array<i32>} : memref<400x64xf32, #tpu.memory_space<vmem>>, vector<16xf32>,
        %mul3A_689 = vector.broadcast %squeeze3A_681 : f32 to vector<16xf32>
        %mul3A_690 = arith.mulf %mul3A_689, %get3A_688 : vector<16xf32>
        %add3A_691 = arith.addf %add3A_661, %mul3A_690 : vector<16xf32>
        %get3A_692 = arith.index_cast %add3A_685 : i32 to index
        %get3A_693 = arith.constant 16 : index
        %get3A_694 = tpu.vector_load %arg15[%get3A_692, %get3A_693] {strides = array<i32>} : memref<400x64xf32, #tpu.memory_space<vmem>>, vector<16xf32>,
        %mul3A_695 = vector.broadcast %squeeze3A_681 : f32 to vector<16xf32>
        %mul3A_696 = arith.mulf %mul3A_695, %get3A_694 : vector<16xf32>
        %add3A_697 = arith.addf %add3A_667, %mul3A_696 : vector<16xf32>
        %get3A_698 = arith.index_cast %add3A_685 : i32 to index
        %get3A_699 = arith.constant 32 : index
        %get3A_700 = tpu.vector_load %arg15[%get3A_698, %get3A_699] {strides = array<i32>} : memref<400x64xf32, #tpu.memory_space<vmem>>, vector<16xf32>,
        %mul3A_701 = vector.broadcast %squeeze3A_681 : f32 to vector<16xf32>
        %mul3A_702 = arith.mulf %mul3A_701, %get3A_700 : vector<16xf32>
        %add3A_703 = arith.addf %add3A_673, %mul3A_702 : vector<16xf32>
        %get3A_704 = arith.index_cast %add3A_685 : i32 to index
        %get3A_705 = arith.constant 48 : index
        %get3A_706 = tpu.vector_load %arg15[%get3A_704, %get3A_705] {strides = array<i32>} : memref<400x64xf32, #tpu.memory_space<vmem>>, vector<16xf32>,
        %mul3A_707 = vector.broadcast %squeeze3A_681 : f32 to vector<16xf32>
        %mul3A_708 = arith.mulf %mul3A_707, %get3A_706 : vector<16xf32>
        %add3A_709 = arith.addf %add3A_679, %mul3A_708 : vector<16xf32>
        %slice3A_710 = vector.extract_strided_slice %get3A_154 {offsets = [2], sizes = [1], strides = [1]} : vector<16xf32> to vector<1xf32>
        %squeeze3A_711 = vector.extract %slice3A_710[0] : f32 from vector<1xf32>
        %mul3A_712 = arith.constant 50 : i32
        %mul3A_713 = arith.muli %scan3A_142, %mul3A_712 : i32
        %add3A_714 = arith.constant 18 : i32
        %add3A_715 = arith.addi %mul3A_713, %add3A_714 : i32
        %get3A_716 = arith.index_cast %add3A_715 : i32 to index
        %get3A_717 = arith.constant 0 : index
        %get3A_718 = tpu.vector_load %arg15[%get3A_716, %get3A_717] {strides = array<i32>} : memref<400x64xf32, #tpu.memory_space<vmem>>, vector<16xf32>,
        %mul3A_719 = vector.broadcast %squeeze3A_711 : f32 to vector<16xf32>
        %mul3A_720 = arith.mulf %mul3A_719, %get3A_718 : vector<16xf32>
        %add3A_721 = arith.addf %add3A_691, %mul3A_720 : vector<16xf32>
        %get3A_722 = arith.index_cast %add3A_715 : i32 to index
        %get3A_723 = arith.constant 16 : index
        %get3A_724 = tpu.vector_load %arg15[%get3A_722, %get3A_723] {strides = array<i32>} : memref<400x64xf32, #tpu.memory_space<vmem>>, vector<16xf32>,
        %mul3A_725 = vector.broadcast %squeeze3A_711 : f32 to vector<16xf32>
        %mul3A_726 = arith.mulf %mul3A_725, %get3A_724 : vector<16xf32>
        %add3A_727 = arith.addf %add3A_697, %mul3A_726 : vector<16xf32>
        %get3A_728 = arith.index_cast %add3A_715 : i32 to index
        %get3A_729 = arith.constant 32 : index
        %get3A_730 = tpu.vector_load %arg15[%get3A_728, %get3A_729] {strides = array<i32>} : memref<400x64xf32, #tpu.memory_space<vmem>>, vector<16xf32>,
        %mul3A_731 = vector.broadcast %squeeze3A_711 : f32 to vector<16xf32>
        %mul3A_732 = arith.mulf %mul3A_731, %get3A_730 : vector<16xf32>
        %add3A_733 = arith.addf %add3A_703, %mul3A_732 : vector<16xf32>
        %get3A_734 = arith.index_cast %add3A_715 : i32 to index
        %get3A_735 = arith.constant 48 : index
        %get3A_736 = tpu.vector_load %arg15[%get3A_734, %get3A_735] {strides = array<i32>} : memref<400x64xf32, #tpu.memory_space<vmem>>, vector<16xf32>,
        %mul3A_737 = vector.broadcast %squeeze3A_711 : f32 to vector<16xf32>
        %mul3A_738 = arith.mulf %mul3A_737, %get3A_736 : vector<16xf32>
        %add3A_739 = arith.addf %add3A_709, %mul3A_738 : vector<16xf32>
        %slice3A_740 = vector.extract_strided_slice %get3A_154 {offsets = [3], sizes = [1], strides = [1]} : vector<16xf32> to vector<1xf32>
        %squeeze3A_741 = vector.extract %slice3A_740[0] : f32 from vector<1xf32>
        %mul3A_742 = arith.constant 50 : i32
        %mul3A_743 = arith.muli %scan3A_142, %mul3A_742 : i32
        %add3A_744 = arith.constant 19 : i32
        %add3A_745 = arith.addi %mul3A_743, %add3A_744 : i32
        %get3A_746 = arith.index_cast %add3A_745 : i32 to index
        %get3A_747 = arith.constant 0 : index
        %get3A_748 = tpu.vector_load %arg15[%get3A_746, %get3A_747] {strides = array<i32>} : memref<400x64xf32, #tpu.memory_space<vmem>>, vector<16xf32>,
        %mul3A_749 = vector.broadcast %squeeze3A_741 : f32 to vector<16xf32>
        %mul3A_750 = arith.mulf %mul3A_749, %get3A_748 : vector<16xf32>
        %add3A_751 = arith.addf %add3A_721, %mul3A_750 : vector<16xf32>
        %get3A_752 = arith.index_cast %add3A_745 : i32 to index
        %get3A_753 = arith.constant 16 : index
        %get3A_754 = tpu.vector_load %arg15[%get3A_752, %get3A_753] {strides = array<i32>} : memref<400x64xf32, #tpu.memory_space<vmem>>, vector<16xf32>,
        %mul3A_755 = vector.broadcast %squeeze3A_741 : f32 to vector<16xf32>
        %mul3A_756 = arith.mulf %mul3A_755, %get3A_754 : vector<16xf32>
        %add3A_757 = arith.addf %add3A_727, %mul3A_756 : vector<16xf32>
        %get3A_758 = arith.index_cast %add3A_745 : i32 to index
        %get3A_759 = arith.constant 32 : index
        %get3A_760 = tpu.vector_load %arg15[%get3A_758, %get3A_759] {strides = array<i32>} : memref<400x64xf32, #tpu.memory_space<vmem>>, vector<16xf32>,
        %mul3A_761 = vector.broadcast %squeeze3A_741 : f32 to vector<16xf32>
        %mul3A_762 = arith.mulf %mul3A_761, %get3A_760 : vector<16xf32>
        %add3A_763 = arith.addf %add3A_733, %mul3A_762 : vector<16xf32>
        %get3A_764 = arith.index_cast %add3A_745 : i32 to index
        %get3A_765 = arith.constant 48 : index
        %get3A_766 = tpu.vector_load %arg15[%get3A_764, %get3A_765] {strides = array<i32>} : memref<400x64xf32, #tpu.memory_space<vmem>>, vector<16xf32>,
        %mul3A_767 = vector.broadcast %squeeze3A_741 : f32 to vector<16xf32>
        %mul3A_768 = arith.mulf %mul3A_767, %get3A_766 : vector<16xf32>
        %add3A_769 = arith.addf %add3A_739, %mul3A_768 : vector<16xf32>
        %slice3A_770 = vector.extract_strided_slice %get3A_154 {offsets = [4], sizes = [1], strides = [1]} : vector<16xf32> to vector<1xf32>
        %squeeze3A_771 = vector.extract %slice3A_770[0] : f32 from vector<1xf32>
        %mul3A_772 = arith.constant 50 : i32
        %mul3A_773 = arith.muli %scan3A_142, %mul3A_772 : i32
        %add3A_774 = arith.constant 20 : i32
        %add3A_775 = arith.addi %mul3A_773, %add3A_774 : i32
        %get3A_776 = arith.index_cast %add3A_775 : i32 to index
        %get3A_777 = arith.constant 0 : index
        %get3A_778 = tpu.vector_load %arg15[%get3A_776, %get3A_777] {strides = array<i32>} : memref<400x64xf32, #tpu.memory_space<vmem>>, vector<16xf32>,
        %mul3A_779 = vector.broadcast %squeeze3A_771 : f32 to vector<16xf32>
        %mul3A_780 = arith.mulf %mul3A_779, %get3A_778 : vector<16xf32>
        %add3A_781 = arith.addf %add3A_751, %mul3A_780 : vector<16xf32>
        %get3A_782 = arith.index_cast %add3A_775 : i32 to index
        %get3A_783 = arith.constant 16 : index
        %get3A_784 = tpu.vector_load %arg15[%get3A_782, %get3A_783] {strides = array<i32>} : memref<400x64xf32, #tpu.memory_space<vmem>>, vector<16xf32>,
        %mul3A_785 = vector.broadcast %squeeze3A_771 : f32 to vector<16xf32>
        %mul3A_786 = arith.mulf %mul3A_785, %get3A_784 : vector<16xf32>
        %add3A_787 = arith.addf %add3A_757, %mul3A_786 : vector<16xf32>
        %get3A_788 = arith.index_cast %add3A_775 : i32 to index
        %get3A_789 = arith.constant 32 : index
        %get3A_790 = tpu.vector_load %arg15[%get3A_788, %get3A_789] {strides = array<i32>} : memref<400x64xf32, #tpu.memory_space<vmem>>, vector<16xf32>,
        %mul3A_791 = vector.broadcast %squeeze3A_771 : f32 to vector<16xf32>
        %mul3A_792 = arith.mulf %mul3A_791, %get3A_790 : vector<16xf32>
        %add3A_793 = arith.addf %add3A_763, %mul3A_792 : vector<16xf32>
        %get3A_794 = arith.index_cast %add3A_775 : i32 to index
        %get3A_795 = arith.constant 48 : index
        %get3A_796 = tpu.vector_load %arg15[%get3A_794, %get3A_795] {strides = array<i32>} : memref<400x64xf32, #tpu.memory_space<vmem>>, vector<16xf32>,
        %mul3A_797 = vector.broadcast %squeeze3A_771 : f32 to vector<16xf32>
        %mul3A_798 = arith.mulf %mul3A_797, %get3A_796 : vector<16xf32>
        %add3A_799 = arith.addf %add3A_769, %mul3A_798 : vector<16xf32>
        %slice3A_800 = vector.extract_strided_slice %get3A_154 {offsets = [5], sizes = [1], strides = [1]} : vector<16xf32> to vector<1xf32>
        %squeeze3A_801 = vector.extract %slice3A_800[0] : f32 from vector<1xf32>
        %mul3A_802 = arith.constant 50 : i32
        %mul3A_803 = arith.muli %scan3A_142, %mul3A_802 : i32
        %add3A_804 = arith.constant 21 : i32
        %add3A_805 = arith.addi %mul3A_803, %add3A_804 : i32
        %get3A_806 = arith.index_cast %add3A_805 : i32 to index
        %get3A_807 = arith.constant 0 : index
        %get3A_808 = tpu.vector_load %arg15[%get3A_806, %get3A_807] {strides = array<i32>} : memref<400x64xf32, #tpu.memory_space<vmem>>, vector<16xf32>,
        %mul3A_809 = vector.broadcast %squeeze3A_801 : f32 to vector<16xf32>
        %mul3A_810 = arith.mulf %mul3A_809, %get3A_808 : vector<16xf32>
        %add3A_811 = arith.addf %add3A_781, %mul3A_810 : vector<16xf32>
        %get3A_812 = arith.index_cast %add3A_805 : i32 to index
        %get3A_813 = arith.constant 16 : index
        %get3A_814 = tpu.vector_load %arg15[%get3A_812, %get3A_813] {strides = array<i32>} : memref<400x64xf32, #tpu.memory_space<vmem>>, vector<16xf32>,
        %mul3A_815 = vector.broadcast %squeeze3A_801 : f32 to vector<16xf32>
        %mul3A_816 = arith.mulf %mul3A_815, %get3A_814 : vector<16xf32>
        %add3A_817 = arith.addf %add3A_787, %mul3A_816 : vector<16xf32>
        %get3A_818 = arith.index_cast %add3A_805 : i32 to index
        %get3A_819 = arith.constant 32 : index
        %get3A_820 = tpu.vector_load %arg15[%get3A_818, %get3A_819] {strides = array<i32>} : memref<400x64xf32, #tpu.memory_space<vmem>>, vector<16xf32>,
        %mul3A_821 = vector.broadcast %squeeze3A_801 : f32 to vector<16xf32>
        %mul3A_822 = arith.mulf %mul3A_821, %get3A_820 : vector<16xf32>
        %add3A_823 = arith.addf %add3A_793, %mul3A_822 : vector<16xf32>
        %get3A_824 = arith.index_cast %add3A_805 : i32 to index
        %get3A_825 = arith.constant 48 : index
        %get3A_826 = tpu.vector_load %arg15[%get3A_824, %get3A_825] {strides = array<i32>} : memref<400x64xf32, #tpu.memory_space<vmem>>, vector<16xf32>,
        %mul3A_827 = vector.broadcast %squeeze3A_801 : f32 to vector<16xf32>
        %mul3A_828 = arith.mulf %mul3A_827, %get3A_826 : vector<16xf32>
        %add3A_829 = arith.addf %add3A_799, %mul3A_828 : vector<16xf32>
        %slice3A_830 = vector.extract_strided_slice %get3A_154 {offsets = [6], sizes = [1], strides = [1]} : vector<16xf32> to vector<1xf32>
        %squeeze3A_831 = vector.extract %slice3A_830[0] : f32 from vector<1xf32>
        %mul3A_832 = arith.constant 50 : i32
        %mul3A_833 = arith.muli %scan3A_142, %mul3A_832 : i32
        %add3A_834 = arith.constant 22 : i32
        %add3A_835 = arith.addi %mul3A_833, %add3A_834 : i32
        %get3A_836 = arith.index_cast %add3A_835 : i32 to index
        %get3A_837 = arith.constant 0 : index
        %get3A_838 = tpu.vector_load %arg15[%get3A_836, %get3A_837] {strides = array<i32>} : memref<400x64xf32, #tpu.memory_space<vmem>>, vector<16xf32>,
        %mul3A_839 = vector.broadcast %squeeze3A_831 : f32 to vector<16xf32>
        %mul3A_840 = arith.mulf %mul3A_839, %get3A_838 : vector<16xf32>
        %add3A_841 = arith.addf %add3A_811, %mul3A_840 : vector<16xf32>
        %get3A_842 = arith.index_cast %add3A_835 : i32 to index
        %get3A_843 = arith.constant 16 : index
        %get3A_844 = tpu.vector_load %arg15[%get3A_842, %get3A_843] {strides = array<i32>} : memref<400x64xf32, #tpu.memory_space<vmem>>, vector<16xf32>,
        %mul3A_845 = vector.broadcast %squeeze3A_831 : f32 to vector<16xf32>
        %mul3A_846 = arith.mulf %mul3A_845, %get3A_844 : vector<16xf32>
        %add3A_847 = arith.addf %add3A_817, %mul3A_846 : vector<16xf32>
        %get3A_848 = arith.index_cast %add3A_835 : i32 to index
        %get3A_849 = arith.constant 32 : index
        %get3A_850 = tpu.vector_load %arg15[%get3A_848, %get3A_849] {strides = array<i32>} : memref<400x64xf32, #tpu.memory_space<vmem>>, vector<16xf32>,
        %mul3A_851 = vector.broadcast %squeeze3A_831 : f32 to vector<16xf32>
        %mul3A_852 = arith.mulf %mul3A_851, %get3A_850 : vector<16xf32>
        %add3A_853 = arith.addf %add3A_823, %mul3A_852 : vector<16xf32>
        %get3A_854 = arith.index_cast %add3A_835 : i32 to index
        %get3A_855 = arith.constant 48 : index
        %get3A_856 = tpu.vector_load %arg15[%get3A_854, %get3A_855] {strides = array<i32>} : memref<400x64xf32, #tpu.memory_space<vmem>>, vector<16xf32>,
        %mul3A_857 = vector.broadcast %squeeze3A_831 : f32 to vector<16xf32>
        %mul3A_858 = arith.mulf %mul3A_857, %get3A_856 : vector<16xf32>
        %add3A_859 = arith.addf %add3A_829, %mul3A_858 : vector<16xf32>
        %slice3A_860 = vector.extract_strided_slice %get3A_154 {offsets = [7], sizes = [1], strides = [1]} : vector<16xf32> to vector<1xf32>
        %squeeze3A_861 = vector.extract %slice3A_860[0] : f32 from vector<1xf32>
        %mul3A_862 = arith.constant 50 : i32
        %mul3A_863 = arith.muli %scan3A_142, %mul3A_862 : i32
        %add3A_864 = arith.constant 23 : i32
        %add3A_865 = arith.addi %mul3A_863, %add3A_864 : i32
        %get3A_866 = arith.index_cast %add3A_865 : i32 to index
        %get3A_867 = arith.constant 0 : index
        %get3A_868 = tpu.vector_load %arg15[%get3A_866, %get3A_867] {strides = array<i32>} : memref<400x64xf32, #tpu.memory_space<vmem>>, vector<16xf32>,
        %mul3A_869 = vector.broadcast %squeeze3A_861 : f32 to vector<16xf32>
        %mul3A_870 = arith.mulf %mul3A_869, %get3A_868 : vector<16xf32>
        %add3A_871 = arith.addf %add3A_841, %mul3A_870 : vector<16xf32>
        %get3A_872 = arith.index_cast %add3A_865 : i32 to index
        %get3A_873 = arith.constant 16 : index
        %get3A_874 = tpu.vector_load %arg15[%get3A_872, %get3A_873] {strides = array<i32>} : memref<400x64xf32, #tpu.memory_space<vmem>>, vector<16xf32>,
        %mul3A_875 = vector.broadcast %squeeze3A_861 : f32 to vector<16xf32>
        %mul3A_876 = arith.mulf %mul3A_875, %get3A_874 : vector<16xf32>
        %add3A_877 = arith.addf %add3A_847, %mul3A_876 : vector<16xf32>
        %get3A_878 = arith.index_cast %add3A_865 : i32 to index
        %get3A_879 = arith.constant 32 : index
        %get3A_880 = tpu.vector_load %arg15[%get3A_878, %get3A_879] {strides = array<i32>} : memref<400x64xf32, #tpu.memory_space<vmem>>, vector<16xf32>,
        %mul3A_881 = vector.broadcast %squeeze3A_861 : f32 to vector<16xf32>
        %mul3A_882 = arith.mulf %mul3A_881, %get3A_880 : vector<16xf32>
        %add3A_883 = arith.addf %add3A_853, %mul3A_882 : vector<16xf32>
        %get3A_884 = arith.index_cast %add3A_865 : i32 to index
        %get3A_885 = arith.constant 48 : index
        %get3A_886 = tpu.vector_load %arg15[%get3A_884, %get3A_885] {strides = array<i32>} : memref<400x64xf32, #tpu.memory_space<vmem>>, vector<16xf32>,
        %mul3A_887 = vector.broadcast %squeeze3A_861 : f32 to vector<16xf32>
        %mul3A_888 = arith.mulf %mul3A_887, %get3A_886 : vector<16xf32>
        %add3A_889 = arith.addf %add3A_859, %mul3A_888 : vector<16xf32>
        %slice3A_890 = vector.extract_strided_slice %get3A_154 {offsets = [8], sizes = [1], strides = [1]} : vector<16xf32> to vector<1xf32>
        %squeeze3A_891 = vector.extract %slice3A_890[0] : f32 from vector<1xf32>
        %mul3A_892 = arith.constant 50 : i32
        %mul3A_893 = arith.muli %scan3A_142, %mul3A_892 : i32
        %add3A_894 = arith.constant 24 : i32
        %add3A_895 = arith.addi %mul3A_893, %add3A_894 : i32
        %get3A_896 = arith.index_cast %add3A_895 : i32 to index
        %get3A_897 = arith.constant 0 : index
        %get3A_898 = tpu.vector_load %arg15[%get3A_896, %get3A_897] {strides = array<i32>} : memref<400x64xf32, #tpu.memory_space<vmem>>, vector<16xf32>,
        %mul3A_899 = vector.broadcast %squeeze3A_891 : f32 to vector<16xf32>
        %mul3A_900 = arith.mulf %mul3A_899, %get3A_898 : vector<16xf32>
        %add3A_901 = arith.addf %add3A_871, %mul3A_900 : vector<16xf32>
        %get3A_902 = arith.index_cast %add3A_895 : i32 to index
        %get3A_903 = arith.constant 16 : index
        %get3A_904 = tpu.vector_load %arg15[%get3A_902, %get3A_903] {strides = array<i32>} : memref<400x64xf32, #tpu.memory_space<vmem>>, vector<16xf32>,
        %mul3A_905 = vector.broadcast %squeeze3A_891 : f32 to vector<16xf32>
        %mul3A_906 = arith.mulf %mul3A_905, %get3A_904 : vector<16xf32>
        %add3A_907 = arith.addf %add3A_877, %mul3A_906 : vector<16xf32>
        %get3A_908 = arith.index_cast %add3A_895 : i32 to index
        %get3A_909 = arith.constant 32 : index
        %get3A_910 = tpu.vector_load %arg15[%get3A_908, %get3A_909] {strides = array<i32>} : memref<400x64xf32, #tpu.memory_space<vmem>>, vector<16xf32>,
        %mul3A_911 = vector.broadcast %squeeze3A_891 : f32 to vector<16xf32>
        %mul3A_912 = arith.mulf %mul3A_911, %get3A_910 : vector<16xf32>
        %add3A_913 = arith.addf %add3A_883, %mul3A_912 : vector<16xf32>
        %get3A_914 = arith.index_cast %add3A_895 : i32 to index
        %get3A_915 = arith.constant 48 : index
        %get3A_916 = tpu.vector_load %arg15[%get3A_914, %get3A_915] {strides = array<i32>} : memref<400x64xf32, #tpu.memory_space<vmem>>, vector<16xf32>,
        %mul3A_917 = vector.broadcast %squeeze3A_891 : f32 to vector<16xf32>
        %mul3A_918 = arith.mulf %mul3A_917, %get3A_916 : vector<16xf32>
        %add3A_919 = arith.addf %add3A_889, %mul3A_918 : vector<16xf32>
        %slice3A_920 = vector.extract_strided_slice %get3A_154 {offsets = [9], sizes = [1], strides = [1]} : vector<16xf32> to vector<1xf32>
        %squeeze3A_921 = vector.extract %slice3A_920[0] : f32 from vector<1xf32>
        %mul3A_922 = arith.constant 50 : i32
        %mul3A_923 = arith.muli %scan3A_142, %mul3A_922 : i32
        %add3A_924 = arith.constant 25 : i32
        %add3A_925 = arith.addi %mul3A_923, %add3A_924 : i32
        %get3A_926 = arith.index_cast %add3A_925 : i32 to index
        %get3A_927 = arith.constant 0 : index
        %get3A_928 = tpu.vector_load %arg15[%get3A_926, %get3A_927] {strides = array<i32>} : memref<400x64xf32, #tpu.memory_space<vmem>>, vector<16xf32>,
        %mul3A_929 = vector.broadcast %squeeze3A_921 : f32 to vector<16xf32>
        %mul3A_930 = arith.mulf %mul3A_929, %get3A_928 : vector<16xf32>
        %add3A_931 = arith.addf %add3A_901, %mul3A_930 : vector<16xf32>
        %get3A_932 = arith.index_cast %add3A_925 : i32 to index
        %get3A_933 = arith.constant 16 : index
        %get3A_934 = tpu.vector_load %arg15[%get3A_932, %get3A_933] {strides = array<i32>} : memref<400x64xf32, #tpu.memory_space<vmem>>, vector<16xf32>,
        %mul3A_935 = vector.broadcast %squeeze3A_921 : f32 to vector<16xf32>
        %mul3A_936 = arith.mulf %mul3A_935, %get3A_934 : vector<16xf32>
        %add3A_937 = arith.addf %add3A_907, %mul3A_936 : vector<16xf32>
        %get3A_938 = arith.index_cast %add3A_925 : i32 to index
        %get3A_939 = arith.constant 32 : index
        %get3A_940 = tpu.vector_load %arg15[%get3A_938, %get3A_939] {strides = array<i32>} : memref<400x64xf32, #tpu.memory_space<vmem>>, vector<16xf32>,
        %mul3A_941 = vector.broadcast %squeeze3A_921 : f32 to vector<16xf32>
        %mul3A_942 = arith.mulf %mul3A_941, %get3A_940 : vector<16xf32>
        %add3A_943 = arith.addf %add3A_913, %mul3A_942 : vector<16xf32>
        %get3A_944 = arith.index_cast %add3A_925 : i32 to index
        %get3A_945 = arith.constant 48 : index
        %get3A_946 = tpu.vector_load %arg15[%get3A_944, %get3A_945] {strides = array<i32>} : memref<400x64xf32, #tpu.memory_space<vmem>>, vector<16xf32>,
        %mul3A_947 = vector.broadcast %squeeze3A_921 : f32 to vector<16xf32>
        %mul3A_948 = arith.mulf %mul3A_947, %get3A_946 : vector<16xf32>
        %add3A_949 = arith.addf %add3A_919, %mul3A_948 : vector<16xf32>
        %slice3A_950 = vector.extract_strided_slice %get3A_154 {offsets = [10], sizes = [1], strides = [1]} : vector<16xf32> to vector<1xf32>
        %squeeze3A_951 = vector.extract %slice3A_950[0] : f32 from vector<1xf32>
        %mul3A_952 = arith.constant 50 : i32
        %mul3A_953 = arith.muli %scan3A_142, %mul3A_952 : i32
        %add3A_954 = arith.constant 26 : i32
        %add3A_955 = arith.addi %mul3A_953, %add3A_954 : i32
        %get3A_956 = arith.index_cast %add3A_955 : i32 to index
        %get3A_957 = arith.constant 0 : index
        %get3A_958 = tpu.vector_load %arg15[%get3A_956, %get3A_957] {strides = array<i32>} : memref<400x64xf32, #tpu.memory_space<vmem>>, vector<16xf32>,
        %mul3A_959 = vector.broadcast %squeeze3A_951 : f32 to vector<16xf32>
        %mul3A_960 = arith.mulf %mul3A_959, %get3A_958 : vector<16xf32>
        %add3A_961 = arith.addf %add3A_931, %mul3A_960 : vector<16xf32>
        %get3A_962 = arith.index_cast %add3A_955 : i32 to index
        %get3A_963 = arith.constant 16 : index
        %get3A_964 = tpu.vector_load %arg15[%get3A_962, %get3A_963] {strides = array<i32>} : memref<400x64xf32, #tpu.memory_space<vmem>>, vector<16xf32>,
        %mul3A_965 = vector.broadcast %squeeze3A_951 : f32 to vector<16xf32>
        %mul3A_966 = arith.mulf %mul3A_965, %get3A_964 : vector<16xf32>
        %add3A_967 = arith.addf %add3A_937, %mul3A_966 : vector<16xf32>
        %get3A_968 = arith.index_cast %add3A_955 : i32 to index
        %get3A_969 = arith.constant 32 : index
        %get3A_970 = tpu.vector_load %arg15[%get3A_968, %get3A_969] {strides = array<i32>} : memref<400x64xf32, #tpu.memory_space<vmem>>, vector<16xf32>,
        %mul3A_971 = vector.broadcast %squeeze3A_951 : f32 to vector<16xf32>
        %mul3A_972 = arith.mulf %mul3A_971, %get3A_970 : vector<16xf32>
        %add3A_973 = arith.addf %add3A_943, %mul3A_972 : vector<16xf32>
        %get3A_974 = arith.index_cast %add3A_955 : i32 to index
        %get3A_975 = arith.constant 48 : index
        %get3A_976 = tpu.vector_load %arg15[%get3A_974, %get3A_975] {strides = array<i32>} : memref<400x64xf32, #tpu.memory_space<vmem>>, vector<16xf32>,
        %mul3A_977 = vector.broadcast %squeeze3A_951 : f32 to vector<16xf32>
        %mul3A_978 = arith.mulf %mul3A_977, %get3A_976 : vector<16xf32>
        %add3A_979 = arith.addf %add3A_949, %mul3A_978 : vector<16xf32>
        %slice3A_980 = vector.extract_strided_slice %get3A_154 {offsets = [11], sizes = [1], strides = [1]} : vector<16xf32> to vector<1xf32>
        %squeeze3A_981 = vector.extract %slice3A_980[0] : f32 from vector<1xf32>
        %mul3A_982 = arith.constant 50 : i32
        %mul3A_983 = arith.muli %scan3A_142, %mul3A_982 : i32
        %add3A_984 = arith.constant 27 : i32
        %add3A_985 = arith.addi %mul3A_983, %add3A_984 : i32
        %get3A_986 = arith.index_cast %add3A_985 : i32 to index
        %get3A_987 = arith.constant 0 : index
        %get3A_988 = tpu.vector_load %arg15[%get3A_986, %get3A_987] {strides = array<i32>} : memref<400x64xf32, #tpu.memory_space<vmem>>, vector<16xf32>,
        %mul3A_989 = vector.broadcast %squeeze3A_981 : f32 to vector<16xf32>
        %mul3A_990 = arith.mulf %mul3A_989, %get3A_988 : vector<16xf32>
        %add3A_991 = arith.addf %add3A_961, %mul3A_990 : vector<16xf32>
        %get3A_992 = arith.index_cast %add3A_985 : i32 to index
        %get3A_993 = arith.constant 16 : index
        %get3A_994 = tpu.vector_load %arg15[%get3A_992, %get3A_993] {strides = array<i32>} : memref<400x64xf32, #tpu.memory_space<vmem>>, vector<16xf32>,
        %mul3A_995 = vector.broadcast %squeeze3A_981 : f32 to vector<16xf32>
        %mul3A_996 = arith.mulf %mul3A_995, %get3A_994 : vector<16xf32>
        %add3A_997 = arith.addf %add3A_967, %mul3A_996 : vector<16xf32>
        %get3A_998 = arith.index_cast %add3A_985 : i32 to index
        %get3A_999 = arith.constant 32 : index
        %get3A_1000 = tpu.vector_load %arg15[%get3A_998, %get3A_999] {strides = array<i32>} : memref<400x64xf32, #tpu.memory_space<vmem>>, vector<16xf32>,
        %mul3A_1001 = vector.broadcast %squeeze3A_981 : f32 to vector<16xf32>
        %mul3A_1002 = arith.mulf %mul3A_1001, %get3A_1000 : vector<16xf32>
        %add3A_1003 = arith.addf %add3A_973, %mul3A_1002 : vector<16xf32>
        %get3A_1004 = arith.index_cast %add3A_985 : i32 to index
        %get3A_1005 = arith.constant 48 : index
        %get3A_1006 = tpu.vector_load %arg15[%get3A_1004, %get3A_1005] {strides = array<i32>} : memref<400x64xf32, #tpu.memory_space<vmem>>, vector<16xf32>,
        %mul3A_1007 = vector.broadcast %squeeze3A_981 : f32 to vector<16xf32>
        %mul3A_1008 = arith.mulf %mul3A_1007, %get3A_1006 : vector<16xf32>
        %add3A_1009 = arith.addf %add3A_979, %mul3A_1008 : vector<16xf32>
        %slice3A_1010 = vector.extract_strided_slice %get3A_154 {offsets = [12], sizes = [1], strides = [1]} : vector<16xf32> to vector<1xf32>
        %squeeze3A_1011 = vector.extract %slice3A_1010[0] : f32 from vector<1xf32>
        %mul3A_1012 = arith.constant 50 : i32
        %mul3A_1013 = arith.muli %scan3A_142, %mul3A_1012 : i32
        %add3A_1014 = arith.constant 28 : i32
        %add3A_1015 = arith.addi %mul3A_1013, %add3A_1014 : i32
        %get3A_1016 = arith.index_cast %add3A_1015 : i32 to index
        %get3A_1017 = arith.constant 0 : index
        %get3A_1018 = tpu.vector_load %arg15[%get3A_1016, %get3A_1017] {strides = array<i32>} : memref<400x64xf32, #tpu.memory_space<vmem>>, vector<16xf32>,
        %mul3A_1019 = vector.broadcast %squeeze3A_1011 : f32 to vector<16xf32>
        %mul3A_1020 = arith.mulf %mul3A_1019, %get3A_1018 : vector<16xf32>
        %add3A_1021 = arith.addf %add3A_991, %mul3A_1020 : vector<16xf32>
        %get3A_1022 = arith.index_cast %add3A_1015 : i32 to index
        %get3A_1023 = arith.constant 16 : index
        %get3A_1024 = tpu.vector_load %arg15[%get3A_1022, %get3A_1023] {strides = array<i32>} : memref<400x64xf32, #tpu.memory_space<vmem>>, vector<16xf32>,
        %mul3A_1025 = vector.broadcast %squeeze3A_1011 : f32 to vector<16xf32>
        %mul3A_1026 = arith.mulf %mul3A_1025, %get3A_1024 : vector<16xf32>
        %add3A_1027 = arith.addf %add3A_997, %mul3A_1026 : vector<16xf32>
        %get3A_1028 = arith.index_cast %add3A_1015 : i32 to index
        %get3A_1029 = arith.constant 32 : index
        %get3A_1030 = tpu.vector_load %arg15[%get3A_1028, %get3A_1029] {strides = array<i32>} : memref<400x64xf32, #tpu.memory_space<vmem>>, vector<16xf32>,
        %mul3A_1031 = vector.broadcast %squeeze3A_1011 : f32 to vector<16xf32>
        %mul3A_1032 = arith.mulf %mul3A_1031, %get3A_1030 : vector<16xf32>
        %add3A_1033 = arith.addf %add3A_1003, %mul3A_1032 : vector<16xf32>
        %get3A_1034 = arith.index_cast %add3A_1015 : i32 to index
        %get3A_1035 = arith.constant 48 : index
        %get3A_1036 = tpu.vector_load %arg15[%get3A_1034, %get3A_1035] {strides = array<i32>} : memref<400x64xf32, #tpu.memory_space<vmem>>, vector<16xf32>,
        %mul3A_1037 = vector.broadcast %squeeze3A_1011 : f32 to vector<16xf32>
        %mul3A_1038 = arith.mulf %mul3A_1037, %get3A_1036 : vector<16xf32>
        %add3A_1039 = arith.addf %add3A_1009, %mul3A_1038 : vector<16xf32>
        %slice3A_1040 = vector.extract_strided_slice %get3A_154 {offsets = [13], sizes = [1], strides = [1]} : vector<16xf32> to vector<1xf32>
        %squeeze3A_1041 = vector.extract %slice3A_1040[0] : f32 from vector<1xf32>
        %mul3A_1042 = arith.constant 50 : i32
        %mul3A_1043 = arith.muli %scan3A_142, %mul3A_1042 : i32
        %add3A_1044 = arith.constant 29 : i32
        %add3A_1045 = arith.addi %mul3A_1043, %add3A_1044 : i32
        %get3A_1046 = arith.index_cast %add3A_1045 : i32 to index
        %get3A_1047 = arith.constant 0 : index
        %get3A_1048 = tpu.vector_load %arg15[%get3A_1046, %get3A_1047] {strides = array<i32>} : memref<400x64xf32, #tpu.memory_space<vmem>>, vector<16xf32>,
        %mul3A_1049 = vector.broadcast %squeeze3A_1041 : f32 to vector<16xf32>
        %mul3A_1050 = arith.mulf %mul3A_1049, %get3A_1048 : vector<16xf32>
        %add3A_1051 = arith.addf %add3A_1021, %mul3A_1050 : vector<16xf32>
        %get3A_1052 = arith.index_cast %add3A_1045 : i32 to index
        %get3A_1053 = arith.constant 16 : index
        %get3A_1054 = tpu.vector_load %arg15[%get3A_1052, %get3A_1053] {strides = array<i32>} : memref<400x64xf32, #tpu.memory_space<vmem>>, vector<16xf32>,
        %mul3A_1055 = vector.broadcast %squeeze3A_1041 : f32 to vector<16xf32>
        %mul3A_1056 = arith.mulf %mul3A_1055, %get3A_1054 : vector<16xf32>
        %add3A_1057 = arith.addf %add3A_1027, %mul3A_1056 : vector<16xf32>
        %get3A_1058 = arith.index_cast %add3A_1045 : i32 to index
        %get3A_1059 = arith.constant 32 : index
        %get3A_1060 = tpu.vector_load %arg15[%get3A_1058, %get3A_1059] {strides = array<i32>} : memref<400x64xf32, #tpu.memory_space<vmem>>, vector<16xf32>,
        %mul3A_1061 = vector.broadcast %squeeze3A_1041 : f32 to vector<16xf32>
        %mul3A_1062 = arith.mulf %mul3A_1061, %get3A_1060 : vector<16xf32>
        %add3A_1063 = arith.addf %add3A_1033, %mul3A_1062 : vector<16xf32>
        %get3A_1064 = arith.index_cast %add3A_1045 : i32 to index
        %get3A_1065 = arith.constant 48 : index
        %get3A_1066 = tpu.vector_load %arg15[%get3A_1064, %get3A_1065] {strides = array<i32>} : memref<400x64xf32, #tpu.memory_space<vmem>>, vector<16xf32>,
        %mul3A_1067 = vector.broadcast %squeeze3A_1041 : f32 to vector<16xf32>
        %mul3A_1068 = arith.mulf %mul3A_1067, %get3A_1066 : vector<16xf32>
        %add3A_1069 = arith.addf %add3A_1039, %mul3A_1068 : vector<16xf32>
        %slice3A_1070 = vector.extract_strided_slice %get3A_154 {offsets = [14], sizes = [1], strides = [1]} : vector<16xf32> to vector<1xf32>
        %squeeze3A_1071 = vector.extract %slice3A_1070[0] : f32 from vector<1xf32>
        %mul3A_1072 = arith.constant 50 : i32
        %mul3A_1073 = arith.muli %scan3A_142, %mul3A_1072 : i32
        %add3A_1074 = arith.constant 30 : i32
        %add3A_1075 = arith.addi %mul3A_1073, %add3A_1074 : i32
        %get3A_1076 = arith.index_cast %add3A_1075 : i32 to index
        %get3A_1077 = arith.constant 0 : index
        %get3A_1078 = tpu.vector_load %arg15[%get3A_1076, %get3A_1077] {strides = array<i32>} : memref<400x64xf32, #tpu.memory_space<vmem>>, vector<16xf32>,
        %mul3A_1079 = vector.broadcast %squeeze3A_1071 : f32 to vector<16xf32>
        %mul3A_1080 = arith.mulf %mul3A_1079, %get3A_1078 : vector<16xf32>
        %add3A_1081 = arith.addf %add3A_1051, %mul3A_1080 : vector<16xf32>
        %get3A_1082 = arith.index_cast %add3A_1075 : i32 to index
        %get3A_1083 = arith.constant 16 : index
        %get3A_1084 = tpu.vector_load %arg15[%get3A_1082, %get3A_1083] {strides = array<i32>} : memref<400x64xf32, #tpu.memory_space<vmem>>, vector<16xf32>,
        %mul3A_1085 = vector.broadcast %squeeze3A_1071 : f32 to vector<16xf32>
        %mul3A_1086 = arith.mulf %mul3A_1085, %get3A_1084 : vector<16xf32>
        %add3A_1087 = arith.addf %add3A_1057, %mul3A_1086 : vector<16xf32>
        %get3A_1088 = arith.index_cast %add3A_1075 : i32 to index
        %get3A_1089 = arith.constant 32 : index
        %get3A_1090 = tpu.vector_load %arg15[%get3A_1088, %get3A_1089] {strides = array<i32>} : memref<400x64xf32, #tpu.memory_space<vmem>>, vector<16xf32>,
        %mul3A_1091 = vector.broadcast %squeeze3A_1071 : f32 to vector<16xf32>
        %mul3A_1092 = arith.mulf %mul3A_1091, %get3A_1090 : vector<16xf32>
        %add3A_1093 = arith.addf %add3A_1063, %mul3A_1092 : vector<16xf32>
        %get3A_1094 = arith.index_cast %add3A_1075 : i32 to index
        %get3A_1095 = arith.constant 48 : index
        %get3A_1096 = tpu.vector_load %arg15[%get3A_1094, %get3A_1095] {strides = array<i32>} : memref<400x64xf32, #tpu.memory_space<vmem>>, vector<16xf32>,
        %mul3A_1097 = vector.broadcast %squeeze3A_1071 : f32 to vector<16xf32>
        %mul3A_1098 = arith.mulf %mul3A_1097, %get3A_1096 : vector<16xf32>
        %add3A_1099 = arith.addf %add3A_1069, %mul3A_1098 : vector<16xf32>
        %slice3A_1100 = vector.extract_strided_slice %get3A_154 {offsets = [15], sizes = [1], strides = [1]} : vector<16xf32> to vector<1xf32>
        %squeeze3A_1101 = vector.extract %slice3A_1100[0] : f32 from vector<1xf32>
        %mul3A_1102 = arith.constant 50 : i32
        %mul3A_1103 = arith.muli %scan3A_142, %mul3A_1102 : i32
        %add3A_1104 = arith.constant 31 : i32
        %add3A_1105 = arith.addi %mul3A_1103, %add3A_1104 : i32
        %get3A_1106 = arith.index_cast %add3A_1105 : i32 to index
        %get3A_1107 = arith.constant 0 : index
        %get3A_1108 = tpu.vector_load %arg15[%get3A_1106, %get3A_1107] {strides = array<i32>} : memref<400x64xf32, #tpu.memory_space<vmem>>, vector<16xf32>,
        %mul3A_1109 = vector.broadcast %squeeze3A_1101 : f32 to vector<16xf32>
        %mul3A_1110 = arith.mulf %mul3A_1109, %get3A_1108 : vector<16xf32>
        %add3A_1111 = arith.addf %add3A_1081, %mul3A_1110 : vector<16xf32>
        %get3A_1112 = arith.index_cast %add3A_1105 : i32 to index
        %get3A_1113 = arith.constant 16 : index
        %get3A_1114 = tpu.vector_load %arg15[%get3A_1112, %get3A_1113] {strides = array<i32>} : memref<400x64xf32, #tpu.memory_space<vmem>>, vector<16xf32>,
        %mul3A_1115 = vector.broadcast %squeeze3A_1101 : f32 to vector<16xf32>
        %mul3A_1116 = arith.mulf %mul3A_1115, %get3A_1114 : vector<16xf32>
        %add3A_1117 = arith.addf %add3A_1087, %mul3A_1116 : vector<16xf32>
        %get3A_1118 = arith.index_cast %add3A_1105 : i32 to index
        %get3A_1119 = arith.constant 32 : index
        %get3A_1120 = tpu.vector_load %arg15[%get3A_1118, %get3A_1119] {strides = array<i32>} : memref<400x64xf32, #tpu.memory_space<vmem>>, vector<16xf32>,
        %mul3A_1121 = vector.broadcast %squeeze3A_1101 : f32 to vector<16xf32>
        %mul3A_1122 = arith.mulf %mul3A_1121, %get3A_1120 : vector<16xf32>
        %add3A_1123 = arith.addf %add3A_1093, %mul3A_1122 : vector<16xf32>
        %get3A_1124 = arith.index_cast %add3A_1105 : i32 to index
        %get3A_1125 = arith.constant 48 : index
        %get3A_1126 = tpu.vector_load %arg15[%get3A_1124, %get3A_1125] {strides = array<i32>} : memref<400x64xf32, #tpu.memory_space<vmem>>, vector<16xf32>,
        %mul3A_1127 = vector.broadcast %squeeze3A_1101 : f32 to vector<16xf32>
        %mul3A_1128 = arith.mulf %mul3A_1127, %get3A_1126 : vector<16xf32>
        %add3A_1129 = arith.addf %add3A_1099, %mul3A_1128 : vector<16xf32>
        %slice3A_1130 = vector.extract_strided_slice %get3A_158 {offsets = [0], sizes = [1], strides = [1]} : vector<16xf32> to vector<1xf32>
        %squeeze3A_1131 = vector.extract %slice3A_1130[0] : f32 from vector<1xf32>
        %mul3A_1132 = arith.constant 50 : i32
        %mul3A_1133 = arith.muli %scan3A_142, %mul3A_1132 : i32
        %add3A_1134 = arith.constant 32 : i32
        %add3A_1135 = arith.addi %mul3A_1133, %add3A_1134 : i32
        %get3A_1136 = arith.index_cast %add3A_1135 : i32 to index
        %get3A_1137 = arith.constant 0 : index
        %get3A_1138 = tpu.vector_load %arg15[%get3A_1136, %get3A_1137] {strides = array<i32>} : memref<400x64xf32, #tpu.memory_space<vmem>>, vector<16xf32>,
        %mul3A_1139 = vector.broadcast %squeeze3A_1131 : f32 to vector<16xf32>
        %mul3A_1140 = arith.mulf %mul3A_1139, %get3A_1138 : vector<16xf32>
        %add3A_1141 = arith.addf %add3A_1111, %mul3A_1140 : vector<16xf32>
        %get3A_1142 = arith.index_cast %add3A_1135 : i32 to index
        %get3A_1143 = arith.constant 16 : index
        %get3A_1144 = tpu.vector_load %arg15[%get3A_1142, %get3A_1143] {strides = array<i32>} : memref<400x64xf32, #tpu.memory_space<vmem>>, vector<16xf32>,
        %mul3A_1145 = vector.broadcast %squeeze3A_1131 : f32 to vector<16xf32>
        %mul3A_1146 = arith.mulf %mul3A_1145, %get3A_1144 : vector<16xf32>
        %add3A_1147 = arith.addf %add3A_1117, %mul3A_1146 : vector<16xf32>
        %get3A_1148 = arith.index_cast %add3A_1135 : i32 to index
        %get3A_1149 = arith.constant 32 : index
        %get3A_1150 = tpu.vector_load %arg15[%get3A_1148, %get3A_1149] {strides = array<i32>} : memref<400x64xf32, #tpu.memory_space<vmem>>, vector<16xf32>,
        %mul3A_1151 = vector.broadcast %squeeze3A_1131 : f32 to vector<16xf32>
        %mul3A_1152 = arith.mulf %mul3A_1151, %get3A_1150 : vector<16xf32>
        %add3A_1153 = arith.addf %add3A_1123, %mul3A_1152 : vector<16xf32>
        %get3A_1154 = arith.index_cast %add3A_1135 : i32 to index
        %get3A_1155 = arith.constant 48 : index
        %get3A_1156 = tpu.vector_load %arg15[%get3A_1154, %get3A_1155] {strides = array<i32>} : memref<400x64xf32, #tpu.memory_space<vmem>>, vector<16xf32>,
        %mul3A_1157 = vector.broadcast %squeeze3A_1131 : f32 to vector<16xf32>
        %mul3A_1158 = arith.mulf %mul3A_1157, %get3A_1156 : vector<16xf32>
        %add3A_1159 = arith.addf %add3A_1129, %mul3A_1158 : vector<16xf32>
        %slice3A_1160 = vector.extract_strided_slice %get3A_158 {offsets = [1], sizes = [1], strides = [1]} : vector<16xf32> to vector<1xf32>
        %squeeze3A_1161 = vector.extract %slice3A_1160[0] : f32 from vector<1xf32>
        %mul3A_1162 = arith.constant 50 : i32
        %mul3A_1163 = arith.muli %scan3A_142, %mul3A_1162 : i32
        %add3A_1164 = arith.constant 33 : i32
        %add3A_1165 = arith.addi %mul3A_1163, %add3A_1164 : i32
        %get3A_1166 = arith.index_cast %add3A_1165 : i32 to index
        %get3A_1167 = arith.constant 0 : index
        %get3A_1168 = tpu.vector_load %arg15[%get3A_1166, %get3A_1167] {strides = array<i32>} : memref<400x64xf32, #tpu.memory_space<vmem>>, vector<16xf32>,
        %mul3A_1169 = vector.broadcast %squeeze3A_1161 : f32 to vector<16xf32>
        %mul3A_1170 = arith.mulf %mul3A_1169, %get3A_1168 : vector<16xf32>
        %add3A_1171 = arith.addf %add3A_1141, %mul3A_1170 : vector<16xf32>
        %get3A_1172 = arith.index_cast %add3A_1165 : i32 to index
        %get3A_1173 = arith.constant 16 : index
        %get3A_1174 = tpu.vector_load %arg15[%get3A_1172, %get3A_1173] {strides = array<i32>} : memref<400x64xf32, #tpu.memory_space<vmem>>, vector<16xf32>,
        %mul3A_1175 = vector.broadcast %squeeze3A_1161 : f32 to vector<16xf32>
        %mul3A_1176 = arith.mulf %mul3A_1175, %get3A_1174 : vector<16xf32>
        %add3A_1177 = arith.addf %add3A_1147, %mul3A_1176 : vector<16xf32>
        %get3A_1178 = arith.index_cast %add3A_1165 : i32 to index
        %get3A_1179 = arith.constant 32 : index
        %get3A_1180 = tpu.vector_load %arg15[%get3A_1178, %get3A_1179] {strides = array<i32>} : memref<400x64xf32, #tpu.memory_space<vmem>>, vector<16xf32>,
        %mul3A_1181 = vector.broadcast %squeeze3A_1161 : f32 to vector<16xf32>
        %mul3A_1182 = arith.mulf %mul3A_1181, %get3A_1180 : vector<16xf32>
        %add3A_1183 = arith.addf %add3A_1153, %mul3A_1182 : vector<16xf32>
        %get3A_1184 = arith.index_cast %add3A_1165 : i32 to index
        %get3A_1185 = arith.constant 48 : index
        %get3A_1186 = tpu.vector_load %arg15[%get3A_1184, %get3A_1185] {strides = array<i32>} : memref<400x64xf32, #tpu.memory_space<vmem>>, vector<16xf32>,
        %mul3A_1187 = vector.broadcast %squeeze3A_1161 : f32 to vector<16xf32>
        %mul3A_1188 = arith.mulf %mul3A_1187, %get3A_1186 : vector<16xf32>
        %add3A_1189 = arith.addf %add3A_1159, %mul3A_1188 : vector<16xf32>
        %slice3A_1190 = vector.extract_strided_slice %get3A_158 {offsets = [2], sizes = [1], strides = [1]} : vector<16xf32> to vector<1xf32>
        %squeeze3A_1191 = vector.extract %slice3A_1190[0] : f32 from vector<1xf32>
        %mul3A_1192 = arith.constant 50 : i32
        %mul3A_1193 = arith.muli %scan3A_142, %mul3A_1192 : i32
        %add3A_1194 = arith.constant 34 : i32
        %add3A_1195 = arith.addi %mul3A_1193, %add3A_1194 : i32
        %get3A_1196 = arith.index_cast %add3A_1195 : i32 to index
        %get3A_1197 = arith.constant 0 : index
        %get3A_1198 = tpu.vector_load %arg15[%get3A_1196, %get3A_1197] {strides = array<i32>} : memref<400x64xf32, #tpu.memory_space<vmem>>, vector<16xf32>,
        %mul3A_1199 = vector.broadcast %squeeze3A_1191 : f32 to vector<16xf32>
        %mul3A_1200 = arith.mulf %mul3A_1199, %get3A_1198 : vector<16xf32>
        %add3A_1201 = arith.addf %add3A_1171, %mul3A_1200 : vector<16xf32>
        %get3A_1202 = arith.index_cast %add3A_1195 : i32 to index
        %get3A_1203 = arith.constant 16 : index
        %get3A_1204 = tpu.vector_load %arg15[%get3A_1202, %get3A_1203] {strides = array<i32>} : memref<400x64xf32, #tpu.memory_space<vmem>>, vector<16xf32>,
        %mul3A_1205 = vector.broadcast %squeeze3A_1191 : f32 to vector<16xf32>
        %mul3A_1206 = arith.mulf %mul3A_1205, %get3A_1204 : vector<16xf32>
        %add3A_1207 = arith.addf %add3A_1177, %mul3A_1206 : vector<16xf32>
        %get3A_1208 = arith.index_cast %add3A_1195 : i32 to index
        %get3A_1209 = arith.constant 32 : index
        %get3A_1210 = tpu.vector_load %arg15[%get3A_1208, %get3A_1209] {strides = array<i32>} : memref<400x64xf32, #tpu.memory_space<vmem>>, vector<16xf32>,
        %mul3A_1211 = vector.broadcast %squeeze3A_1191 : f32 to vector<16xf32>
        %mul3A_1212 = arith.mulf %mul3A_1211, %get3A_1210 : vector<16xf32>
        %add3A_1213 = arith.addf %add3A_1183, %mul3A_1212 : vector<16xf32>
        %get3A_1214 = arith.index_cast %add3A_1195 : i32 to index
        %get3A_1215 = arith.constant 48 : index
        %get3A_1216 = tpu.vector_load %arg15[%get3A_1214, %get3A_1215] {strides = array<i32>} : memref<400x64xf32, #tpu.memory_space<vmem>>, vector<16xf32>,
        %mul3A_1217 = vector.broadcast %squeeze3A_1191 : f32 to vector<16xf32>
        %mul3A_1218 = arith.mulf %mul3A_1217, %get3A_1216 : vector<16xf32>
        %add3A_1219 = arith.addf %add3A_1189, %mul3A_1218 : vector<16xf32>
        %slice3A_1220 = vector.extract_strided_slice %get3A_158 {offsets = [3], sizes = [1], strides = [1]} : vector<16xf32> to vector<1xf32>
        %squeeze3A_1221 = vector.extract %slice3A_1220[0] : f32 from vector<1xf32>
        %mul3A_1222 = arith.constant 50 : i32
        %mul3A_1223 = arith.muli %scan3A_142, %mul3A_1222 : i32
        %add3A_1224 = arith.constant 35 : i32
        %add3A_1225 = arith.addi %mul3A_1223, %add3A_1224 : i32
        %get3A_1226 = arith.index_cast %add3A_1225 : i32 to index
        %get3A_1227 = arith.constant 0 : index
        %get3A_1228 = tpu.vector_load %arg15[%get3A_1226, %get3A_1227] {strides = array<i32>} : memref<400x64xf32, #tpu.memory_space<vmem>>, vector<16xf32>,
        %mul3A_1229 = vector.broadcast %squeeze3A_1221 : f32 to vector<16xf32>
        %mul3A_1230 = arith.mulf %mul3A_1229, %get3A_1228 : vector<16xf32>
        %add3A_1231 = arith.addf %add3A_1201, %mul3A_1230 : vector<16xf32>
        %get3A_1232 = arith.index_cast %add3A_1225 : i32 to index
        %get3A_1233 = arith.constant 16 : index
        %get3A_1234 = tpu.vector_load %arg15[%get3A_1232, %get3A_1233] {strides = array<i32>} : memref<400x64xf32, #tpu.memory_space<vmem>>, vector<16xf32>,
        %mul3A_1235 = vector.broadcast %squeeze3A_1221 : f32 to vector<16xf32>
        %mul3A_1236 = arith.mulf %mul3A_1235, %get3A_1234 : vector<16xf32>
        %add3A_1237 = arith.addf %add3A_1207, %mul3A_1236 : vector<16xf32>
        %get3A_1238 = arith.index_cast %add3A_1225 : i32 to index
        %get3A_1239 = arith.constant 32 : index
        %get3A_1240 = tpu.vector_load %arg15[%get3A_1238, %get3A_1239] {strides = array<i32>} : memref<400x64xf32, #tpu.memory_space<vmem>>, vector<16xf32>,
        %mul3A_1241 = vector.broadcast %squeeze3A_1221 : f32 to vector<16xf32>
        %mul3A_1242 = arith.mulf %mul3A_1241, %get3A_1240 : vector<16xf32>
        %add3A_1243 = arith.addf %add3A_1213, %mul3A_1242 : vector<16xf32>
        %get3A_1244 = arith.index_cast %add3A_1225 : i32 to index
        %get3A_1245 = arith.constant 48 : index
        %get3A_1246 = tpu.vector_load %arg15[%get3A_1244, %get3A_1245] {strides = array<i32>} : memref<400x64xf32, #tpu.memory_space<vmem>>, vector<16xf32>,
        %mul3A_1247 = vector.broadcast %squeeze3A_1221 : f32 to vector<16xf32>
        %mul3A_1248 = arith.mulf %mul3A_1247, %get3A_1246 : vector<16xf32>
        %add3A_1249 = arith.addf %add3A_1219, %mul3A_1248 : vector<16xf32>
        %slice3A_1250 = vector.extract_strided_slice %get3A_158 {offsets = [4], sizes = [1], strides = [1]} : vector<16xf32> to vector<1xf32>
        %squeeze3A_1251 = vector.extract %slice3A_1250[0] : f32 from vector<1xf32>
        %mul3A_1252 = arith.constant 50 : i32
        %mul3A_1253 = arith.muli %scan3A_142, %mul3A_1252 : i32
        %add3A_1254 = arith.constant 36 : i32
        %add3A_1255 = arith.addi %mul3A_1253, %add3A_1254 : i32
        %get3A_1256 = arith.index_cast %add3A_1255 : i32 to index
        %get3A_1257 = arith.constant 0 : index
        %get3A_1258 = tpu.vector_load %arg15[%get3A_1256, %get3A_1257] {strides = array<i32>} : memref<400x64xf32, #tpu.memory_space<vmem>>, vector<16xf32>,
        %mul3A_1259 = vector.broadcast %squeeze3A_1251 : f32 to vector<16xf32>
        %mul3A_1260 = arith.mulf %mul3A_1259, %get3A_1258 : vector<16xf32>
        %add3A_1261 = arith.addf %add3A_1231, %mul3A_1260 : vector<16xf32>
        %get3A_1262 = arith.index_cast %add3A_1255 : i32 to index
        %get3A_1263 = arith.constant 16 : index
        %get3A_1264 = tpu.vector_load %arg15[%get3A_1262, %get3A_1263] {strides = array<i32>} : memref<400x64xf32, #tpu.memory_space<vmem>>, vector<16xf32>,
        %mul3A_1265 = vector.broadcast %squeeze3A_1251 : f32 to vector<16xf32>
        %mul3A_1266 = arith.mulf %mul3A_1265, %get3A_1264 : vector<16xf32>
        %add3A_1267 = arith.addf %add3A_1237, %mul3A_1266 : vector<16xf32>
        %get3A_1268 = arith.index_cast %add3A_1255 : i32 to index
        %get3A_1269 = arith.constant 32 : index
        %get3A_1270 = tpu.vector_load %arg15[%get3A_1268, %get3A_1269] {strides = array<i32>} : memref<400x64xf32, #tpu.memory_space<vmem>>, vector<16xf32>,
        %mul3A_1271 = vector.broadcast %squeeze3A_1251 : f32 to vector<16xf32>
        %mul3A_1272 = arith.mulf %mul3A_1271, %get3A_1270 : vector<16xf32>
        %add3A_1273 = arith.addf %add3A_1243, %mul3A_1272 : vector<16xf32>
        %get3A_1274 = arith.index_cast %add3A_1255 : i32 to index
        %get3A_1275 = arith.constant 48 : index
        %get3A_1276 = tpu.vector_load %arg15[%get3A_1274, %get3A_1275] {strides = array<i32>} : memref<400x64xf32, #tpu.memory_space<vmem>>, vector<16xf32>,
        %mul3A_1277 = vector.broadcast %squeeze3A_1251 : f32 to vector<16xf32>
        %mul3A_1278 = arith.mulf %mul3A_1277, %get3A_1276 : vector<16xf32>
        %add3A_1279 = arith.addf %add3A_1249, %mul3A_1278 : vector<16xf32>
        %slice3A_1280 = vector.extract_strided_slice %get3A_158 {offsets = [5], sizes = [1], strides = [1]} : vector<16xf32> to vector<1xf32>
        %squeeze3A_1281 = vector.extract %slice3A_1280[0] : f32 from vector<1xf32>
        %mul3A_1282 = arith.constant 50 : i32
        %mul3A_1283 = arith.muli %scan3A_142, %mul3A_1282 : i32
        %add3A_1284 = arith.constant 37 : i32
        %add3A_1285 = arith.addi %mul3A_1283, %add3A_1284 : i32
        %get3A_1286 = arith.index_cast %add3A_1285 : i32 to index
        %get3A_1287 = arith.constant 0 : index
        %get3A_1288 = tpu.vector_load %arg15[%get3A_1286, %get3A_1287] {strides = array<i32>} : memref<400x64xf32, #tpu.memory_space<vmem>>, vector<16xf32>,
        %mul3A_1289 = vector.broadcast %squeeze3A_1281 : f32 to vector<16xf32>
        %mul3A_1290 = arith.mulf %mul3A_1289, %get3A_1288 : vector<16xf32>
        %add3A_1291 = arith.addf %add3A_1261, %mul3A_1290 : vector<16xf32>
        %get3A_1292 = arith.index_cast %add3A_1285 : i32 to index
        %get3A_1293 = arith.constant 16 : index
        %get3A_1294 = tpu.vector_load %arg15[%get3A_1292, %get3A_1293] {strides = array<i32>} : memref<400x64xf32, #tpu.memory_space<vmem>>, vector<16xf32>,
        %mul3A_1295 = vector.broadcast %squeeze3A_1281 : f32 to vector<16xf32>
        %mul3A_1296 = arith.mulf %mul3A_1295, %get3A_1294 : vector<16xf32>
        %add3A_1297 = arith.addf %add3A_1267, %mul3A_1296 : vector<16xf32>
        %get3A_1298 = arith.index_cast %add3A_1285 : i32 to index
        %get3A_1299 = arith.constant 32 : index
        %get3A_1300 = tpu.vector_load %arg15[%get3A_1298, %get3A_1299] {strides = array<i32>} : memref<400x64xf32, #tpu.memory_space<vmem>>, vector<16xf32>,
        %mul3A_1301 = vector.broadcast %squeeze3A_1281 : f32 to vector<16xf32>
        %mul3A_1302 = arith.mulf %mul3A_1301, %get3A_1300 : vector<16xf32>
        %add3A_1303 = arith.addf %add3A_1273, %mul3A_1302 : vector<16xf32>
        %get3A_1304 = arith.index_cast %add3A_1285 : i32 to index
        %get3A_1305 = arith.constant 48 : index
        %get3A_1306 = tpu.vector_load %arg15[%get3A_1304, %get3A_1305] {strides = array<i32>} : memref<400x64xf32, #tpu.memory_space<vmem>>, vector<16xf32>,
        %mul3A_1307 = vector.broadcast %squeeze3A_1281 : f32 to vector<16xf32>
        %mul3A_1308 = arith.mulf %mul3A_1307, %get3A_1306 : vector<16xf32>
        %add3A_1309 = arith.addf %add3A_1279, %mul3A_1308 : vector<16xf32>
        %slice3A_1310 = vector.extract_strided_slice %get3A_158 {offsets = [6], sizes = [1], strides = [1]} : vector<16xf32> to vector<1xf32>
        %squeeze3A_1311 = vector.extract %slice3A_1310[0] : f32 from vector<1xf32>
        %mul3A_1312 = arith.constant 50 : i32
        %mul3A_1313 = arith.muli %scan3A_142, %mul3A_1312 : i32
        %add3A_1314 = arith.constant 38 : i32
        %add3A_1315 = arith.addi %mul3A_1313, %add3A_1314 : i32
        %get3A_1316 = arith.index_cast %add3A_1315 : i32 to index
        %get3A_1317 = arith.constant 0 : index
        %get3A_1318 = tpu.vector_load %arg15[%get3A_1316, %get3A_1317] {strides = array<i32>} : memref<400x64xf32, #tpu.memory_space<vmem>>, vector<16xf32>,
        %mul3A_1319 = vector.broadcast %squeeze3A_1311 : f32 to vector<16xf32>
        %mul3A_1320 = arith.mulf %mul3A_1319, %get3A_1318 : vector<16xf32>
        %add3A_1321 = arith.addf %add3A_1291, %mul3A_1320 : vector<16xf32>
        %get3A_1322 = arith.index_cast %add3A_1315 : i32 to index
        %get3A_1323 = arith.constant 16 : index
        %get3A_1324 = tpu.vector_load %arg15[%get3A_1322, %get3A_1323] {strides = array<i32>} : memref<400x64xf32, #tpu.memory_space<vmem>>, vector<16xf32>,
        %mul3A_1325 = vector.broadcast %squeeze3A_1311 : f32 to vector<16xf32>
        %mul3A_1326 = arith.mulf %mul3A_1325, %get3A_1324 : vector<16xf32>
        %add3A_1327 = arith.addf %add3A_1297, %mul3A_1326 : vector<16xf32>
        %get3A_1328 = arith.index_cast %add3A_1315 : i32 to index
        %get3A_1329 = arith.constant 32 : index
        %get3A_1330 = tpu.vector_load %arg15[%get3A_1328, %get3A_1329] {strides = array<i32>} : memref<400x64xf32, #tpu.memory_space<vmem>>, vector<16xf32>,
        %mul3A_1331 = vector.broadcast %squeeze3A_1311 : f32 to vector<16xf32>
        %mul3A_1332 = arith.mulf %mul3A_1331, %get3A_1330 : vector<16xf32>
        %add3A_1333 = arith.addf %add3A_1303, %mul3A_1332 : vector<16xf32>
        %get3A_1334 = arith.index_cast %add3A_1315 : i32 to index
        %get3A_1335 = arith.constant 48 : index
        %get3A_1336 = tpu.vector_load %arg15[%get3A_1334, %get3A_1335] {strides = array<i32>} : memref<400x64xf32, #tpu.memory_space<vmem>>, vector<16xf32>,
        %mul3A_1337 = vector.broadcast %squeeze3A_1311 : f32 to vector<16xf32>
        %mul3A_1338 = arith.mulf %mul3A_1337, %get3A_1336 : vector<16xf32>
        %add3A_1339 = arith.addf %add3A_1309, %mul3A_1338 : vector<16xf32>
        %slice3A_1340 = vector.extract_strided_slice %get3A_158 {offsets = [7], sizes = [1], strides = [1]} : vector<16xf32> to vector<1xf32>
        %squeeze3A_1341 = vector.extract %slice3A_1340[0] : f32 from vector<1xf32>
        %mul3A_1342 = arith.constant 50 : i32
        %mul3A_1343 = arith.muli %scan3A_142, %mul3A_1342 : i32
        %add3A_1344 = arith.constant 39 : i32
        %add3A_1345 = arith.addi %mul3A_1343, %add3A_1344 : i32
        %get3A_1346 = arith.index_cast %add3A_1345 : i32 to index
        %get3A_1347 = arith.constant 0 : index
        %get3A_1348 = tpu.vector_load %arg15[%get3A_1346, %get3A_1347] {strides = array<i32>} : memref<400x64xf32, #tpu.memory_space<vmem>>, vector<16xf32>,
        %mul3A_1349 = vector.broadcast %squeeze3A_1341 : f32 to vector<16xf32>
        %mul3A_1350 = arith.mulf %mul3A_1349, %get3A_1348 : vector<16xf32>
        %add3A_1351 = arith.addf %add3A_1321, %mul3A_1350 : vector<16xf32>
        %get3A_1352 = arith.index_cast %add3A_1345 : i32 to index
        %get3A_1353 = arith.constant 16 : index
        %get3A_1354 = tpu.vector_load %arg15[%get3A_1352, %get3A_1353] {strides = array<i32>} : memref<400x64xf32, #tpu.memory_space<vmem>>, vector<16xf32>,
        %mul3A_1355 = vector.broadcast %squeeze3A_1341 : f32 to vector<16xf32>
        %mul3A_1356 = arith.mulf %mul3A_1355, %get3A_1354 : vector<16xf32>
        %add3A_1357 = arith.addf %add3A_1327, %mul3A_1356 : vector<16xf32>
        %get3A_1358 = arith.index_cast %add3A_1345 : i32 to index
        %get3A_1359 = arith.constant 32 : index
        %get3A_1360 = tpu.vector_load %arg15[%get3A_1358, %get3A_1359] {strides = array<i32>} : memref<400x64xf32, #tpu.memory_space<vmem>>, vector<16xf32>,
        %mul3A_1361 = vector.broadcast %squeeze3A_1341 : f32 to vector<16xf32>
        %mul3A_1362 = arith.mulf %mul3A_1361, %get3A_1360 : vector<16xf32>
        %add3A_1363 = arith.addf %add3A_1333, %mul3A_1362 : vector<16xf32>
        %get3A_1364 = arith.index_cast %add3A_1345 : i32 to index
        %get3A_1365 = arith.constant 48 : index
        %get3A_1366 = tpu.vector_load %arg15[%get3A_1364, %get3A_1365] {strides = array<i32>} : memref<400x64xf32, #tpu.memory_space<vmem>>, vector<16xf32>,
        %mul3A_1367 = vector.broadcast %squeeze3A_1341 : f32 to vector<16xf32>
        %mul3A_1368 = arith.mulf %mul3A_1367, %get3A_1366 : vector<16xf32>
        %add3A_1369 = arith.addf %add3A_1339, %mul3A_1368 : vector<16xf32>
        %slice3A_1370 = vector.extract_strided_slice %get3A_158 {offsets = [8], sizes = [1], strides = [1]} : vector<16xf32> to vector<1xf32>
        %squeeze3A_1371 = vector.extract %slice3A_1370[0] : f32 from vector<1xf32>
        %mul3A_1372 = arith.constant 50 : i32
        %mul3A_1373 = arith.muli %scan3A_142, %mul3A_1372 : i32
        %add3A_1374 = arith.constant 40 : i32
        %add3A_1375 = arith.addi %mul3A_1373, %add3A_1374 : i32
        %get3A_1376 = arith.index_cast %add3A_1375 : i32 to index
        %get3A_1377 = arith.constant 0 : index
        %get3A_1378 = tpu.vector_load %arg15[%get3A_1376, %get3A_1377] {strides = array<i32>} : memref<400x64xf32, #tpu.memory_space<vmem>>, vector<16xf32>,
        %mul3A_1379 = vector.broadcast %squeeze3A_1371 : f32 to vector<16xf32>
        %mul3A_1380 = arith.mulf %mul3A_1379, %get3A_1378 : vector<16xf32>
        %add3A_1381 = arith.addf %add3A_1351, %mul3A_1380 : vector<16xf32>
        %get3A_1382 = arith.index_cast %add3A_1375 : i32 to index
        %get3A_1383 = arith.constant 16 : index
        %get3A_1384 = tpu.vector_load %arg15[%get3A_1382, %get3A_1383] {strides = array<i32>} : memref<400x64xf32, #tpu.memory_space<vmem>>, vector<16xf32>,
        %mul3A_1385 = vector.broadcast %squeeze3A_1371 : f32 to vector<16xf32>
        %mul3A_1386 = arith.mulf %mul3A_1385, %get3A_1384 : vector<16xf32>
        %add3A_1387 = arith.addf %add3A_1357, %mul3A_1386 : vector<16xf32>
        %get3A_1388 = arith.index_cast %add3A_1375 : i32 to index
        %get3A_1389 = arith.constant 32 : index
        %get3A_1390 = tpu.vector_load %arg15[%get3A_1388, %get3A_1389] {strides = array<i32>} : memref<400x64xf32, #tpu.memory_space<vmem>>, vector<16xf32>,
        %mul3A_1391 = vector.broadcast %squeeze3A_1371 : f32 to vector<16xf32>
        %mul3A_1392 = arith.mulf %mul3A_1391, %get3A_1390 : vector<16xf32>
        %add3A_1393 = arith.addf %add3A_1363, %mul3A_1392 : vector<16xf32>
        %get3A_1394 = arith.index_cast %add3A_1375 : i32 to index
        %get3A_1395 = arith.constant 48 : index
        %get3A_1396 = tpu.vector_load %arg15[%get3A_1394, %get3A_1395] {strides = array<i32>} : memref<400x64xf32, #tpu.memory_space<vmem>>, vector<16xf32>,
        %mul3A_1397 = vector.broadcast %squeeze3A_1371 : f32 to vector<16xf32>
        %mul3A_1398 = arith.mulf %mul3A_1397, %get3A_1396 : vector<16xf32>
        %add3A_1399 = arith.addf %add3A_1369, %mul3A_1398 : vector<16xf32>
        %slice3A_1400 = vector.extract_strided_slice %get3A_158 {offsets = [9], sizes = [1], strides = [1]} : vector<16xf32> to vector<1xf32>
        %squeeze3A_1401 = vector.extract %slice3A_1400[0] : f32 from vector<1xf32>
        %mul3A_1402 = arith.constant 50 : i32
        %mul3A_1403 = arith.muli %scan3A_142, %mul3A_1402 : i32
        %add3A_1404 = arith.constant 41 : i32
        %add3A_1405 = arith.addi %mul3A_1403, %add3A_1404 : i32
        %get3A_1406 = arith.index_cast %add3A_1405 : i32 to index
        %get3A_1407 = arith.constant 0 : index
        %get3A_1408 = tpu.vector_load %arg15[%get3A_1406, %get3A_1407] {strides = array<i32>} : memref<400x64xf32, #tpu.memory_space<vmem>>, vector<16xf32>,
        %mul3A_1409 = vector.broadcast %squeeze3A_1401 : f32 to vector<16xf32>
        %mul3A_1410 = arith.mulf %mul3A_1409, %get3A_1408 : vector<16xf32>
        %add3A_1411 = arith.addf %add3A_1381, %mul3A_1410 : vector<16xf32>
        %get3A_1412 = arith.index_cast %add3A_1405 : i32 to index
        %get3A_1413 = arith.constant 16 : index
        %get3A_1414 = tpu.vector_load %arg15[%get3A_1412, %get3A_1413] {strides = array<i32>} : memref<400x64xf32, #tpu.memory_space<vmem>>, vector<16xf32>,
        %mul3A_1415 = vector.broadcast %squeeze3A_1401 : f32 to vector<16xf32>
        %mul3A_1416 = arith.mulf %mul3A_1415, %get3A_1414 : vector<16xf32>
        %add3A_1417 = arith.addf %add3A_1387, %mul3A_1416 : vector<16xf32>
        %get3A_1418 = arith.index_cast %add3A_1405 : i32 to index
        %get3A_1419 = arith.constant 32 : index
        %get3A_1420 = tpu.vector_load %arg15[%get3A_1418, %get3A_1419] {strides = array<i32>} : memref<400x64xf32, #tpu.memory_space<vmem>>, vector<16xf32>,
        %mul3A_1421 = vector.broadcast %squeeze3A_1401 : f32 to vector<16xf32>
        %mul3A_1422 = arith.mulf %mul3A_1421, %get3A_1420 : vector<16xf32>
        %add3A_1423 = arith.addf %add3A_1393, %mul3A_1422 : vector<16xf32>
        %get3A_1424 = arith.index_cast %add3A_1405 : i32 to index
        %get3A_1425 = arith.constant 48 : index
        %get3A_1426 = tpu.vector_load %arg15[%get3A_1424, %get3A_1425] {strides = array<i32>} : memref<400x64xf32, #tpu.memory_space<vmem>>, vector<16xf32>,
        %mul3A_1427 = vector.broadcast %squeeze3A_1401 : f32 to vector<16xf32>
        %mul3A_1428 = arith.mulf %mul3A_1427, %get3A_1426 : vector<16xf32>
        %add3A_1429 = arith.addf %add3A_1399, %mul3A_1428 : vector<16xf32>
        %slice3A_1430 = vector.extract_strided_slice %get3A_158 {offsets = [10], sizes = [1], strides = [1]} : vector<16xf32> to vector<1xf32>
        %squeeze3A_1431 = vector.extract %slice3A_1430[0] : f32 from vector<1xf32>
        %mul3A_1432 = arith.constant 50 : i32
        %mul3A_1433 = arith.muli %scan3A_142, %mul3A_1432 : i32
        %add3A_1434 = arith.constant 42 : i32
        %add3A_1435 = arith.addi %mul3A_1433, %add3A_1434 : i32
        %get3A_1436 = arith.index_cast %add3A_1435 : i32 to index
        %get3A_1437 = arith.constant 0 : index
        %get3A_1438 = tpu.vector_load %arg15[%get3A_1436, %get3A_1437] {strides = array<i32>} : memref<400x64xf32, #tpu.memory_space<vmem>>, vector<16xf32>,
        %mul3A_1439 = vector.broadcast %squeeze3A_1431 : f32 to vector<16xf32>
        %mul3A_1440 = arith.mulf %mul3A_1439, %get3A_1438 : vector<16xf32>
        %add3A_1441 = arith.addf %add3A_1411, %mul3A_1440 : vector<16xf32>
        %get3A_1442 = arith.index_cast %add3A_1435 : i32 to index
        %get3A_1443 = arith.constant 16 : index
        %get3A_1444 = tpu.vector_load %arg15[%get3A_1442, %get3A_1443] {strides = array<i32>} : memref<400x64xf32, #tpu.memory_space<vmem>>, vector<16xf32>,
        %mul3A_1445 = vector.broadcast %squeeze3A_1431 : f32 to vector<16xf32>
        %mul3A_1446 = arith.mulf %mul3A_1445, %get3A_1444 : vector<16xf32>
        %add3A_1447 = arith.addf %add3A_1417, %mul3A_1446 : vector<16xf32>
        %get3A_1448 = arith.index_cast %add3A_1435 : i32 to index
        %get3A_1449 = arith.constant 32 : index
        %get3A_1450 = tpu.vector_load %arg15[%get3A_1448, %get3A_1449] {strides = array<i32>} : memref<400x64xf32, #tpu.memory_space<vmem>>, vector<16xf32>,
        %mul3A_1451 = vector.broadcast %squeeze3A_1431 : f32 to vector<16xf32>
        %mul3A_1452 = arith.mulf %mul3A_1451, %get3A_1450 : vector<16xf32>
        %add3A_1453 = arith.addf %add3A_1423, %mul3A_1452 : vector<16xf32>
        %get3A_1454 = arith.index_cast %add3A_1435 : i32 to index
        %get3A_1455 = arith.constant 48 : index
        %get3A_1456 = tpu.vector_load %arg15[%get3A_1454, %get3A_1455] {strides = array<i32>} : memref<400x64xf32, #tpu.memory_space<vmem>>, vector<16xf32>,
        %mul3A_1457 = vector.broadcast %squeeze3A_1431 : f32 to vector<16xf32>
        %mul3A_1458 = arith.mulf %mul3A_1457, %get3A_1456 : vector<16xf32>
        %add3A_1459 = arith.addf %add3A_1429, %mul3A_1458 : vector<16xf32>
        %slice3A_1460 = vector.extract_strided_slice %get3A_158 {offsets = [11], sizes = [1], strides = [1]} : vector<16xf32> to vector<1xf32>
        %squeeze3A_1461 = vector.extract %slice3A_1460[0] : f32 from vector<1xf32>
        %mul3A_1462 = arith.constant 50 : i32
        %mul3A_1463 = arith.muli %scan3A_142, %mul3A_1462 : i32
        %add3A_1464 = arith.constant 43 : i32
        %add3A_1465 = arith.addi %mul3A_1463, %add3A_1464 : i32
        %get3A_1466 = arith.index_cast %add3A_1465 : i32 to index
        %get3A_1467 = arith.constant 0 : index
        %get3A_1468 = tpu.vector_load %arg15[%get3A_1466, %get3A_1467] {strides = array<i32>} : memref<400x64xf32, #tpu.memory_space<vmem>>, vector<16xf32>,
        %mul3A_1469 = vector.broadcast %squeeze3A_1461 : f32 to vector<16xf32>
        %mul3A_1470 = arith.mulf %mul3A_1469, %get3A_1468 : vector<16xf32>
        %add3A_1471 = arith.addf %add3A_1441, %mul3A_1470 : vector<16xf32>
        %get3A_1472 = arith.index_cast %add3A_1465 : i32 to index
        %get3A_1473 = arith.constant 16 : index
        %get3A_1474 = tpu.vector_load %arg15[%get3A_1472, %get3A_1473] {strides = array<i32>} : memref<400x64xf32, #tpu.memory_space<vmem>>, vector<16xf32>,
        %mul3A_1475 = vector.broadcast %squeeze3A_1461 : f32 to vector<16xf32>
        %mul3A_1476 = arith.mulf %mul3A_1475, %get3A_1474 : vector<16xf32>
        %add3A_1477 = arith.addf %add3A_1447, %mul3A_1476 : vector<16xf32>
        %get3A_1478 = arith.index_cast %add3A_1465 : i32 to index
        %get3A_1479 = arith.constant 32 : index
        %get3A_1480 = tpu.vector_load %arg15[%get3A_1478, %get3A_1479] {strides = array<i32>} : memref<400x64xf32, #tpu.memory_space<vmem>>, vector<16xf32>,
        %mul3A_1481 = vector.broadcast %squeeze3A_1461 : f32 to vector<16xf32>
        %mul3A_1482 = arith.mulf %mul3A_1481, %get3A_1480 : vector<16xf32>
        %add3A_1483 = arith.addf %add3A_1453, %mul3A_1482 : vector<16xf32>
        %get3A_1484 = arith.index_cast %add3A_1465 : i32 to index
        %get3A_1485 = arith.constant 48 : index
        %get3A_1486 = tpu.vector_load %arg15[%get3A_1484, %get3A_1485] {strides = array<i32>} : memref<400x64xf32, #tpu.memory_space<vmem>>, vector<16xf32>,
        %mul3A_1487 = vector.broadcast %squeeze3A_1461 : f32 to vector<16xf32>
        %mul3A_1488 = arith.mulf %mul3A_1487, %get3A_1486 : vector<16xf32>
        %add3A_1489 = arith.addf %add3A_1459, %mul3A_1488 : vector<16xf32>
        %slice3A_1490 = vector.extract_strided_slice %get3A_158 {offsets = [12], sizes = [1], strides = [1]} : vector<16xf32> to vector<1xf32>
        %squeeze3A_1491 = vector.extract %slice3A_1490[0] : f32 from vector<1xf32>
        %mul3A_1492 = arith.constant 50 : i32
        %mul3A_1493 = arith.muli %scan3A_142, %mul3A_1492 : i32
        %add3A_1494 = arith.constant 44 : i32
        %add3A_1495 = arith.addi %mul3A_1493, %add3A_1494 : i32
        %get3A_1496 = arith.index_cast %add3A_1495 : i32 to index
        %get3A_1497 = arith.constant 0 : index
        %get3A_1498 = tpu.vector_load %arg15[%get3A_1496, %get3A_1497] {strides = array<i32>} : memref<400x64xf32, #tpu.memory_space<vmem>>, vector<16xf32>,
        %mul3A_1499 = vector.broadcast %squeeze3A_1491 : f32 to vector<16xf32>
        %mul3A_1500 = arith.mulf %mul3A_1499, %get3A_1498 : vector<16xf32>
        %add3A_1501 = arith.addf %add3A_1471, %mul3A_1500 : vector<16xf32>
        %get3A_1502 = arith.index_cast %add3A_1495 : i32 to index
        %get3A_1503 = arith.constant 16 : index
        %get3A_1504 = tpu.vector_load %arg15[%get3A_1502, %get3A_1503] {strides = array<i32>} : memref<400x64xf32, #tpu.memory_space<vmem>>, vector<16xf32>,
        %mul3A_1505 = vector.broadcast %squeeze3A_1491 : f32 to vector<16xf32>
        %mul3A_1506 = arith.mulf %mul3A_1505, %get3A_1504 : vector<16xf32>
        %add3A_1507 = arith.addf %add3A_1477, %mul3A_1506 : vector<16xf32>
        %get3A_1508 = arith.index_cast %add3A_1495 : i32 to index
        %get3A_1509 = arith.constant 32 : index
        %get3A_1510 = tpu.vector_load %arg15[%get3A_1508, %get3A_1509] {strides = array<i32>} : memref<400x64xf32, #tpu.memory_space<vmem>>, vector<16xf32>,
        %mul3A_1511 = vector.broadcast %squeeze3A_1491 : f32 to vector<16xf32>
        %mul3A_1512 = arith.mulf %mul3A_1511, %get3A_1510 : vector<16xf32>
        %add3A_1513 = arith.addf %add3A_1483, %mul3A_1512 : vector<16xf32>
        %get3A_1514 = arith.index_cast %add3A_1495 : i32 to index
        %get3A_1515 = arith.constant 48 : index
        %get3A_1516 = tpu.vector_load %arg15[%get3A_1514, %get3A_1515] {strides = array<i32>} : memref<400x64xf32, #tpu.memory_space<vmem>>, vector<16xf32>,
        %mul3A_1517 = vector.broadcast %squeeze3A_1491 : f32 to vector<16xf32>
        %mul3A_1518 = arith.mulf %mul3A_1517, %get3A_1516 : vector<16xf32>
        %add3A_1519 = arith.addf %add3A_1489, %mul3A_1518 : vector<16xf32>
        %slice3A_1520 = vector.extract_strided_slice %get3A_158 {offsets = [13], sizes = [1], strides = [1]} : vector<16xf32> to vector<1xf32>
        %squeeze3A_1521 = vector.extract %slice3A_1520[0] : f32 from vector<1xf32>
        %mul3A_1522 = arith.constant 50 : i32
        %mul3A_1523 = arith.muli %scan3A_142, %mul3A_1522 : i32
        %add3A_1524 = arith.constant 45 : i32
        %add3A_1525 = arith.addi %mul3A_1523, %add3A_1524 : i32
        %get3A_1526 = arith.index_cast %add3A_1525 : i32 to index
        %get3A_1527 = arith.constant 0 : index
        %get3A_1528 = tpu.vector_load %arg15[%get3A_1526, %get3A_1527] {strides = array<i32>} : memref<400x64xf32, #tpu.memory_space<vmem>>, vector<16xf32>,
        %mul3A_1529 = vector.broadcast %squeeze3A_1521 : f32 to vector<16xf32>
        %mul3A_1530 = arith.mulf %mul3A_1529, %get3A_1528 : vector<16xf32>
        %add3A_1531 = arith.addf %add3A_1501, %mul3A_1530 : vector<16xf32>
        %get3A_1532 = arith.index_cast %add3A_1525 : i32 to index
        %get3A_1533 = arith.constant 16 : index
        %get3A_1534 = tpu.vector_load %arg15[%get3A_1532, %get3A_1533] {strides = array<i32>} : memref<400x64xf32, #tpu.memory_space<vmem>>, vector<16xf32>,
        %mul3A_1535 = vector.broadcast %squeeze3A_1521 : f32 to vector<16xf32>
        %mul3A_1536 = arith.mulf %mul3A_1535, %get3A_1534 : vector<16xf32>
        %add3A_1537 = arith.addf %add3A_1507, %mul3A_1536 : vector<16xf32>
        %get3A_1538 = arith.index_cast %add3A_1525 : i32 to index
        %get3A_1539 = arith.constant 32 : index
        %get3A_1540 = tpu.vector_load %arg15[%get3A_1538, %get3A_1539] {strides = array<i32>} : memref<400x64xf32, #tpu.memory_space<vmem>>, vector<16xf32>,
        %mul3A_1541 = vector.broadcast %squeeze3A_1521 : f32 to vector<16xf32>
        %mul3A_1542 = arith.mulf %mul3A_1541, %get3A_1540 : vector<16xf32>
        %add3A_1543 = arith.addf %add3A_1513, %mul3A_1542 : vector<16xf32>
        %get3A_1544 = arith.index_cast %add3A_1525 : i32 to index
        %get3A_1545 = arith.constant 48 : index
        %get3A_1546 = tpu.vector_load %arg15[%get3A_1544, %get3A_1545] {strides = array<i32>} : memref<400x64xf32, #tpu.memory_space<vmem>>, vector<16xf32>,
        %mul3A_1547 = vector.broadcast %squeeze3A_1521 : f32 to vector<16xf32>
        %mul3A_1548 = arith.mulf %mul3A_1547, %get3A_1546 : vector<16xf32>
        %add3A_1549 = arith.addf %add3A_1519, %mul3A_1548 : vector<16xf32>
        %slice3A_1550 = vector.extract_strided_slice %get3A_158 {offsets = [14], sizes = [1], strides = [1]} : vector<16xf32> to vector<1xf32>
        %squeeze3A_1551 = vector.extract %slice3A_1550[0] : f32 from vector<1xf32>
        %mul3A_1552 = arith.constant 50 : i32
        %mul3A_1553 = arith.muli %scan3A_142, %mul3A_1552 : i32
        %add3A_1554 = arith.constant 46 : i32
        %add3A_1555 = arith.addi %mul3A_1553, %add3A_1554 : i32
        %get3A_1556 = arith.index_cast %add3A_1555 : i32 to index
        %get3A_1557 = arith.constant 0 : index
        %get3A_1558 = tpu.vector_load %arg15[%get3A_1556, %get3A_1557] {strides = array<i32>} : memref<400x64xf32, #tpu.memory_space<vmem>>, vector<16xf32>,
        %mul3A_1559 = vector.broadcast %squeeze3A_1551 : f32 to vector<16xf32>
        %mul3A_1560 = arith.mulf %mul3A_1559, %get3A_1558 : vector<16xf32>
        %add3A_1561 = arith.addf %add3A_1531, %mul3A_1560 : vector<16xf32>
        %get3A_1562 = arith.index_cast %add3A_1555 : i32 to index
        %get3A_1563 = arith.constant 16 : index
        %get3A_1564 = tpu.vector_load %arg15[%get3A_1562, %get3A_1563] {strides = array<i32>} : memref<400x64xf32, #tpu.memory_space<vmem>>, vector<16xf32>,
        %mul3A_1565 = vector.broadcast %squeeze3A_1551 : f32 to vector<16xf32>
        %mul3A_1566 = arith.mulf %mul3A_1565, %get3A_1564 : vector<16xf32>
        %add3A_1567 = arith.addf %add3A_1537, %mul3A_1566 : vector<16xf32>
        %get3A_1568 = arith.index_cast %add3A_1555 : i32 to index
        %get3A_1569 = arith.constant 32 : index
        %get3A_1570 = tpu.vector_load %arg15[%get3A_1568, %get3A_1569] {strides = array<i32>} : memref<400x64xf32, #tpu.memory_space<vmem>>, vector<16xf32>,
        %mul3A_1571 = vector.broadcast %squeeze3A_1551 : f32 to vector<16xf32>
        %mul3A_1572 = arith.mulf %mul3A_1571, %get3A_1570 : vector<16xf32>
        %add3A_1573 = arith.addf %add3A_1543, %mul3A_1572 : vector<16xf32>
        %get3A_1574 = arith.index_cast %add3A_1555 : i32 to index
        %get3A_1575 = arith.constant 48 : index
        %get3A_1576 = tpu.vector_load %arg15[%get3A_1574, %get3A_1575] {strides = array<i32>} : memref<400x64xf32, #tpu.memory_space<vmem>>, vector<16xf32>,
        %mul3A_1577 = vector.broadcast %squeeze3A_1551 : f32 to vector<16xf32>
        %mul3A_1578 = arith.mulf %mul3A_1577, %get3A_1576 : vector<16xf32>
        %add3A_1579 = arith.addf %add3A_1549, %mul3A_1578 : vector<16xf32>
        %slice3A_1580 = vector.extract_strided_slice %get3A_158 {offsets = [15], sizes = [1], strides = [1]} : vector<16xf32> to vector<1xf32>
        %squeeze3A_1581 = vector.extract %slice3A_1580[0] : f32 from vector<1xf32>
        %mul3A_1582 = arith.constant 50 : i32
        %mul3A_1583 = arith.muli %scan3A_142, %mul3A_1582 : i32
        %add3A_1584 = arith.constant 47 : i32
        %add3A_1585 = arith.addi %mul3A_1583, %add3A_1584 : i32
        %get3A_1586 = arith.index_cast %add3A_1585 : i32 to index
        %get3A_1587 = arith.constant 0 : index
        %get3A_1588 = tpu.vector_load %arg15[%get3A_1586, %get3A_1587] {strides = array<i32>} : memref<400x64xf32, #tpu.memory_space<vmem>>, vector<16xf32>,
        %mul3A_1589 = vector.broadcast %squeeze3A_1581 : f32 to vector<16xf32>
        %mul3A_1590 = arith.mulf %mul3A_1589, %get3A_1588 : vector<16xf32>
        %add3A_1591 = arith.addf %add3A_1561, %mul3A_1590 : vector<16xf32>
        %get3A_1592 = arith.index_cast %add3A_1585 : i32 to index
        %get3A_1593 = arith.constant 16 : index
        %get3A_1594 = tpu.vector_load %arg15[%get3A_1592, %get3A_1593] {strides = array<i32>} : memref<400x64xf32, #tpu.memory_space<vmem>>, vector<16xf32>,
        %mul3A_1595 = vector.broadcast %squeeze3A_1581 : f32 to vector<16xf32>
        %mul3A_1596 = arith.mulf %mul3A_1595, %get3A_1594 : vector<16xf32>
        %add3A_1597 = arith.addf %add3A_1567, %mul3A_1596 : vector<16xf32>
        %get3A_1598 = arith.index_cast %add3A_1585 : i32 to index
        %get3A_1599 = arith.constant 32 : index
        %get3A_1600 = tpu.vector_load %arg15[%get3A_1598, %get3A_1599] {strides = array<i32>} : memref<400x64xf32, #tpu.memory_space<vmem>>, vector<16xf32>,
        %mul3A_1601 = vector.broadcast %squeeze3A_1581 : f32 to vector<16xf32>
        %mul3A_1602 = arith.mulf %mul3A_1601, %get3A_1600 : vector<16xf32>
        %add3A_1603 = arith.addf %add3A_1573, %mul3A_1602 : vector<16xf32>
        %get3A_1604 = arith.index_cast %add3A_1585 : i32 to index
        %get3A_1605 = arith.constant 48 : index
        %get3A_1606 = tpu.vector_load %arg15[%get3A_1604, %get3A_1605] {strides = array<i32>} : memref<400x64xf32, #tpu.memory_space<vmem>>, vector<16xf32>,
        %mul3A_1607 = vector.broadcast %squeeze3A_1581 : f32 to vector<16xf32>
        %mul3A_1608 = arith.mulf %mul3A_1607, %get3A_1606 : vector<16xf32>
        %add3A_1609 = arith.addf %add3A_1579, %mul3A_1608 : vector<16xf32>
        %slice3A_1610 = vector.extract_strided_slice %get3A_162 {offsets = [0], sizes = [1], strides = [1]} : vector<16xf32> to vector<1xf32>
        %squeeze3A_1611 = vector.extract %slice3A_1610[0] : f32 from vector<1xf32>
        %mul3A_1612 = arith.constant 50 : i32
        %mul3A_1613 = arith.muli %scan3A_142, %mul3A_1612 : i32
        %add3A_1614 = arith.constant 48 : i32
        %add3A_1615 = arith.addi %mul3A_1613, %add3A_1614 : i32
        %get3A_1616 = arith.index_cast %add3A_1615 : i32 to index
        %get3A_1617 = arith.constant 0 : index
        %get3A_1618 = tpu.vector_load %arg15[%get3A_1616, %get3A_1617] {strides = array<i32>} : memref<400x64xf32, #tpu.memory_space<vmem>>, vector<16xf32>,
        %mul3A_1619 = vector.broadcast %squeeze3A_1611 : f32 to vector<16xf32>
        %mul3A_1620 = arith.mulf %mul3A_1619, %get3A_1618 : vector<16xf32>
        %add3A_1621 = arith.addf %add3A_1591, %mul3A_1620 : vector<16xf32>
        %get3A_1622 = arith.index_cast %add3A_1615 : i32 to index
        %get3A_1623 = arith.constant 16 : index
        %get3A_1624 = tpu.vector_load %arg15[%get3A_1622, %get3A_1623] {strides = array<i32>} : memref<400x64xf32, #tpu.memory_space<vmem>>, vector<16xf32>,
        %mul3A_1625 = vector.broadcast %squeeze3A_1611 : f32 to vector<16xf32>
        %mul3A_1626 = arith.mulf %mul3A_1625, %get3A_1624 : vector<16xf32>
        %add3A_1627 = arith.addf %add3A_1597, %mul3A_1626 : vector<16xf32>
        %get3A_1628 = arith.index_cast %add3A_1615 : i32 to index
        %get3A_1629 = arith.constant 32 : index
        %get3A_1630 = tpu.vector_load %arg15[%get3A_1628, %get3A_1629] {strides = array<i32>} : memref<400x64xf32, #tpu.memory_space<vmem>>, vector<16xf32>,
        %mul3A_1631 = vector.broadcast %squeeze3A_1611 : f32 to vector<16xf32>
        %mul3A_1632 = arith.mulf %mul3A_1631, %get3A_1630 : vector<16xf32>
        %add3A_1633 = arith.addf %add3A_1603, %mul3A_1632 : vector<16xf32>
        %get3A_1634 = arith.index_cast %add3A_1615 : i32 to index
        %get3A_1635 = arith.constant 48 : index
        %get3A_1636 = tpu.vector_load %arg15[%get3A_1634, %get3A_1635] {strides = array<i32>} : memref<400x64xf32, #tpu.memory_space<vmem>>, vector<16xf32>,
        %mul3A_1637 = vector.broadcast %squeeze3A_1611 : f32 to vector<16xf32>
        %mul3A_1638 = arith.mulf %mul3A_1637, %get3A_1636 : vector<16xf32>
        %add3A_1639 = arith.addf %add3A_1609, %mul3A_1638 : vector<16xf32>
        %slice3A_1640 = vector.extract_strided_slice %get3A_162 {offsets = [1], sizes = [1], strides = [1]} : vector<16xf32> to vector<1xf32>
        %squeeze3A_1641 = vector.extract %slice3A_1640[0] : f32 from vector<1xf32>
        %mul3A_1642 = arith.constant 50 : i32
        %mul3A_1643 = arith.muli %scan3A_142, %mul3A_1642 : i32
        %add3A_1644 = arith.constant 49 : i32
        %add3A_1645 = arith.addi %mul3A_1643, %add3A_1644 : i32
        %get3A_1646 = arith.index_cast %add3A_1645 : i32 to index
        %get3A_1647 = arith.constant 0 : index
        %get3A_1648 = tpu.vector_load %arg15[%get3A_1646, %get3A_1647] {strides = array<i32>} : memref<400x64xf32, #tpu.memory_space<vmem>>, vector<16xf32>,
        %mul3A_1649 = vector.broadcast %squeeze3A_1641 : f32 to vector<16xf32>
        %mul3A_1650 = arith.mulf %mul3A_1649, %get3A_1648 : vector<16xf32>
        %add3A_1651 = arith.addf %add3A_1621, %mul3A_1650 : vector<16xf32>
        %get3A_1652 = arith.index_cast %add3A_1645 : i32 to index
        %get3A_1653 = arith.constant 16 : index
        %get3A_1654 = tpu.vector_load %arg15[%get3A_1652, %get3A_1653] {strides = array<i32>} : memref<400x64xf32, #tpu.memory_space<vmem>>, vector<16xf32>,
        %mul3A_1655 = vector.broadcast %squeeze3A_1641 : f32 to vector<16xf32>
        %mul3A_1656 = arith.mulf %mul3A_1655, %get3A_1654 : vector<16xf32>
        %add3A_1657 = arith.addf %add3A_1627, %mul3A_1656 : vector<16xf32>
        %get3A_1658 = arith.index_cast %add3A_1645 : i32 to index
        %get3A_1659 = arith.constant 32 : index
        %get3A_1660 = tpu.vector_load %arg15[%get3A_1658, %get3A_1659] {strides = array<i32>} : memref<400x64xf32, #tpu.memory_space<vmem>>, vector<16xf32>,
        %mul3A_1661 = vector.broadcast %squeeze3A_1641 : f32 to vector<16xf32>
        %mul3A_1662 = arith.mulf %mul3A_1661, %get3A_1660 : vector<16xf32>
        %add3A_1663 = arith.addf %add3A_1633, %mul3A_1662 : vector<16xf32>
        %get3A_1664 = arith.index_cast %add3A_1645 : i32 to index
        %get3A_1665 = arith.constant 48 : index
        %get3A_1666 = tpu.vector_load %arg15[%get3A_1664, %get3A_1665] {strides = array<i32>} : memref<400x64xf32, #tpu.memory_space<vmem>>, vector<16xf32>,
        %mul3A_1667 = vector.broadcast %squeeze3A_1641 : f32 to vector<16xf32>
        %mul3A_1668 = arith.mulf %mul3A_1667, %get3A_1666 : vector<16xf32>
        %add3A_1669 = arith.addf %add3A_1639, %mul3A_1668 : vector<16xf32>
        %mul3A_1670 = arith.mulf %add3A_1651, %div3A_171 : vector<16xf32>
        %swap3A = arith.index_cast %add3A_145 : i32 to index
        %swap3A_1671 = arith.constant 64 : index
        %swap3A_1672 = tpu.vector_load %arg16[%swap3A, %swap3A_1671] {strides = array<i32>} : memref<128x256xf32, #tpu.memory_space<vmem>>, vector<16xf32>,
        tpu.vector_store %arg16[%swap3A, %swap3A_1671], %mul3A_1670 {strides = array<i32>} : memref<128x256xf32, #tpu.memory_space<vmem>>, vector<16xf32>,
        %mul3A_1673 = arith.mulf %add3A_1657, %div3A_171 : vector<16xf32>
        %swap3A_1674 = arith.index_cast %add3A_145 : i32 to index
        %swap3A_1675 = arith.constant 80 : index
        %swap3A_1676 = tpu.vector_load %arg16[%swap3A_1674, %swap3A_1675] {strides = array<i32>} : memref<128x256xf32, #tpu.memory_space<vmem>>, vector<16xf32>,
        tpu.vector_store %arg16[%swap3A_1674, %swap3A_1675], %mul3A_1673 {strides = array<i32>} : memref<128x256xf32, #tpu.memory_space<vmem>>, vector<16xf32>,
        %mul3A_1677 = arith.mulf %add3A_1663, %div3A_171 : vector<16xf32>
        %swap3A_1678 = arith.index_cast %add3A_145 : i32 to index
        %swap3A_1679 = arith.constant 96 : index
        %swap3A_1680 = tpu.vector_load %arg16[%swap3A_1678, %swap3A_1679] {strides = array<i32>} : memref<128x256xf32, #tpu.memory_space<vmem>>, vector<16xf32>,
        tpu.vector_store %arg16[%swap3A_1678, %swap3A_1679], %mul3A_1677 {strides = array<i32>} : memref<128x256xf32, #tpu.memory_space<vmem>>, vector<16xf32>,
        %mul3A_1681 = arith.mulf %add3A_1669, %div3A_171 : vector<16xf32>
        %swap3A_1682 = arith.index_cast %add3A_145 : i32 to index
        %swap3A_1683 = arith.constant 112 : index
        %swap3A_1684 = tpu.vector_load %arg16[%swap3A_1682, %swap3A_1683] {strides = array<i32>} : memref<128x256xf32, #tpu.memory_space<vmem>>, vector<16xf32>,
        tpu.vector_store %arg16[%swap3A_1682, %swap3A_1683], %mul3A_1681 {strides = array<i32>} : memref<128x256xf32, #tpu.memory_space<vmem>>, vector<16xf32>,
      }
      %scan3A_141 = arith.constant 8 : i32
    }
    %scan3A_46 = arith.constant 16 : i32
    "tpu.region"() ({
      %run_scoped3A = tpu.sem_alloc : memref<!tpu.dma_semaphore, #tpu.memory_space<semaphore_mem>>
      %dma_start3A_47 = arith.constant 0 : i32
      %dma_start3A_48 = tpu.memref_slice %arg10[%mul3A_2, %dma_start3A_47] : memref<4096x256xf32, #tpu.memory_space<hbm>> -> memref<128x256xf32, #tpu.memory_space<hbm>>
      %dma_start3A_49 = arith.constant 0 : i32
      %dma_start3A_50 = tpu.memref_slice %arg10[%mul3A_2, %dma_start3A_49] : memref<4096x256xf32, #tpu.memory_space<hbm>> -> memref<128x256xf32, #tpu.memory_space<hbm>>
      tpu.enqueue_dma source(%arg16 : memref<128x256xf32, #tpu.memory_space<vmem>>) target(%dma_start3A_50 : memref<128x256xf32, #tpu.memory_space<hbm>>) target_semaphore(%run_scoped3A : memref<!tpu.dma_semaphore, #tpu.memory_space<semaphore_mem>>)
      %dma_wait3A_51 = arith.constant 0 : i32
      %dma_wait3A_52 = tpu.memref_slice %arg10[%mul3A_2, %dma_wait3A_51] : memref<4096x256xf32, #tpu.memory_space<hbm>> -> memref<128x256xf32, #tpu.memory_space<hbm>>
      %dma_wait3A_53 = arith.constant 0 : i32
      %dma_wait3A_54 = tpu.memref_slice %arg10[%mul3A_2, %dma_wait3A_53] : memref<4096x256xf32, #tpu.memory_space<hbm>> -> memref<128x256xf32, #tpu.memory_space<hbm>>
      tpu.wait_dma2 semaphore(%run_scoped3A : memref<!tpu.dma_semaphore, #tpu.memory_space<semaphore_mem>>) src(%arg16 : memref<128x256xf32, #tpu.memory_space<vmem>>) dst(%dma_wait3A_54 : memref<128x256xf32, #tpu.memory_space<hbm>>)
      tpu.yield
    }) : () -> ()
    return
  }
}

</mosaic_0001>

<sc_bundles>
// kernel: kernel.3.cloned.1.call-start
scs
__scs_entry_jumppad:
0x0: {  	(pc) =	sbr.rel $0x88, $3  }
0x1: {  	(tag) =	ssettag $0x0;
	lr =	simm.s32 $0x1  }
0x2: {  	[smem:$0x3F99] =	sst lr;
	_ =	strace $0xD0000000  }
0x3: {  	_ = 	snop  }
0x4: {  	_ = 	snop  }
0x5: {  	_ = 	snop  }
0x6: {  	_ = 	snop  }
0x7: {  	_ = 	snop  }
__scs_overlays_trampoline_lowered:
0x8: {  	[smem:$0x3FA8] =	sst s0  }
0x9: {  	[smem:$0x3FA9] =	sst s1  }
0xa: {  	[smem:$0x3FAA] =	sst s2  }
0xb: {  	[smem:$0x3FAB] =	sst s3  }
0xc: {  	[smem:$0x3FAC] =	sst s4  }
0xd: {  	[smem:$0x3FAD] =	sst s5  }
0xe: {  	[smem:$0x3FAE] =	sst s6  }
0xf: {  	[smem:$0x3FAF] =	sst s7  }
0x10: {  	[smem:$0x3FB0] =	sst s8  }
0x11: {  	[smem:$0x3FB1] =	sst s9;
	s0 =	simm.s32 @!p0 $0x0  }
0x12: {  	s1 =	sld [smem:$0x3F97];
	s0 =	simm.s32 @p0 $0x1  }
0x13: {  	[smem:$0x3FB2] =	sst s0;
	s0 =	simm.s32 @!p1 $0x0  }
0x14: {  	s2 =	sld [smem:$0x3F96];
	s0 =	simm.s32 @p1 $0x1  }
0x15: {  	[smem:$0x3FB3] =	sst s0;
	s0 =	simm.s32 @!p2 $0x0  }
0x16: {  	s3 =	sld [smem:$0x3FDB];
	s0 =	simm.s32 @p2 $0x1  }
0x17: {  	s4 =	simm.s32 $0x1BF5;
	[smem:$0x3FB5] =	sst s0  }
0x18: {  	s0 =	sld [smem:$0x3F98];
	_ =	swait.ge [sflag:s4], $0x0  }
0x19: {  	s7 =	sld [smem:$0x3F99]  }
0x1a: {  	s8 =	sadd.s32 $0xFFFFE003, lr  }
0x1b: {  	s9 =	sadd.s32 $0xFFFFFEF7, lr;
	s5 =	simm.s32 $0xFFFFFFFF;
	p2 =	slt.u32 s8, $0xFFFFF086  }
0x1c: {  	p1 =	slt.u32 s9, $0xF7A;
	s5 =	simm.s32 @!p2 $0x0  }
0x1d: {  	s5 =	simm.s32 @p1 $0x1;
	p0 =	seq.s32 s7, s2  }
0x1e: {  	s7 =	smul.u32 @!p0 $0xF7A, s2;
	p2 =	seq.s32 @!p0 s5, $0x0  }
0x1f: {  	s9 =	smul.u32 $0xF7A, s1;
	s8 =	simm.s32 @!p0 $0x1BF5;
	p2 =	por !p2, p0  }
0x20: {  	[sflag:s8] =	ssyncset.s32 @!p0 $0xFFFFF086;
	s6 =	sadd.s32 @!p0 s3, s7;
	s7 =	simm.s32 @!p0 $0x108  }
0x21: {  	s3 =	sadd.s32 s3, s9;
	s6 =	sadd.s32 @!p0 $0x88, s6;
	s7 =	simm.s32 @p2 $0x1082  }
0x22: {  	[simem:s7], [sflag:s8] =	dma.local @!p0 [hbm:s6], $0xF7A  }
0x23: {  	s9 =	sor.u32 $0xD0000000, s2;
	s6 =	simm.s32 $0x108;
	_ =	swait.ge @!p0 [sflag:s8], $0x0  }
0x24: {  	s3 =	sadd.s32 $0x88, s3;
	s6 =	simm.s32 @!p1 $0x1082;
	[sflag:s4] =	ssyncset.s32 $0xFFFFF086  }
0x25: {  	[simem:s6], [sflag:s4] =	dma.local [hbm:s3], $0xF7A  }
0x26: {  	[smem:$0x3F99] =	sst s1;
	(tag) =	ssettag s2;
	_ =	strace s9  }
0x27: {  	s1 =	sld [smem:$0x3FA9]  }
0x28: {  	s2 =	sld [smem:$0x3FAA]  }
0x29: {  	s4 =	sld [smem:$0x3FAC]  }
0x2a: {  	p0 =	seq.s32 s5, $0x0;
	s5 =	sld [smem:$0x3FAD]  }
0x2b: {  	s6 =	sld [smem:$0x3FAE]  }
0x2c: {  	s7 =	sld [smem:$0x3FAF]  }
0x2d: {  	s3 =	simm.s32 $0x108;
	s8 =	sld [smem:$0x3FB0]  }
0x2e: {  	s3 =	simm.s32 @!p0 $0x1082;
	s9 =	sld [smem:$0x3FB1]  }
0x2f: {  	lr =	sadd.s32 s0, s3;
	s0 =	sld [smem:$0x3FA8]  }
0x30: {  	s3 =	sld [smem:$0x3FAB]  }
0x31: {  	[smem:$0x3FB4] =	sst s10  }
0x32: {  	s10 =	sld [smem:$0x3FB2];
	_ =	sdelay $0x3  }
0x33: {  	p0 =	seq.s32 s10, $0x1;
	s10 =	sld [smem:$0x3FB4];
	_ =	sdelay $0x3  }
0x34: {  	[smem:$0x3FB4] =	sst s10  }
0x35: {  	s10 =	sld [smem:$0x3FB3];
	_ =	sdelay $0x3  }
0x36: {  	p1 =	seq.s32 s10, $0x1;
	s10 =	sld [smem:$0x3FB4];
	_ =	sdelay $0x3  }
0x37: {  	[smem:$0x3FB4] =	sst s10  }
0x38: {  	s10 =	sld [smem:$0x3FB5]  }
0x39: {  	_ = 	snop;
	(pc) =	sbr.ind lr, $3  }
0x3a: {  	_ = 	snop  }
0x3b: {  	_ = 	snop  }
0x3c: {  	p2 =	seq.s32 s10, $0x1;
	s10 =	sld [smem:$0x3FB4]  }
0x3d: {  	_ =	shalt  }
0x3e: {  	_ =	shalt  }
0x3f: {  	_ =	shalt  }
0x40: {  	_ =	shalt  }
0x41: {  	_ =	shalt  }
0x42: {  	_ =	shalt  }
0x43: {  	_ =	shalt  }
0x44: {  	_ =	shalt  }
0x45: {  	_ =	shalt  }
0x46: {  	_ =	shalt  }
0x47: {  	_ =	shalt  }
0x48: {  	_ =	shalt  }
0x49: {  	_ =	shalt  }
0x4a: {  	_ =	shalt  }
0x4b: {  	_ =	shalt  }
0x4c: {  	_ =	shalt  }
0x4d: {  	_ =	shalt  }
0x4e: {  	_ =	shalt  }
0x4f: {  	_ =	shalt  }
0x50: {  	_ =	shalt  }
0x51: {  	_ =	shalt  }
0x52: {  	_ =	shalt  }
0x53: {  	_ =	shalt  }
0x54: {  	_ =	shalt  }
0x55: {  	_ =	shalt  }
0x56: {  	_ =	shalt  }
0x57: {  	_ =	shalt  }
0x58: {  	_ =	shalt  }
0x59: {  	_ =	shalt  }
0x5a: {  	_ =	shalt  }
0x5b: {  	_ =	shalt  }
0x5c: {  	_ =	shalt  }
0x5d: {  	_ =	shalt  }
0x5e: {  	_ =	shalt  }
0x5f: {  	_ =	shalt  }
0x60: {  	_ =	shalt  }
0x61: {  	_ =	shalt  }
0x62: {  	_ =	shalt  }
0x63: {  	_ =	shalt  }
0x64: {  	_ =	shalt  }
0x65: {  	_ =	shalt  }
0x66: {  	_ =	shalt  }
0x67: {  	_ =	shalt  }
0x68: {  	_ =	shalt  }
0x69: {  	_ =	shalt  }
0x6a: {  	_ =	shalt  }
0x6b: {  	_ =	shalt  }
0x6c: {  	_ =	shalt  }
0x6d: {  	_ =	shalt  }
0x6e: {  	_ =	shalt  }
0x6f: {  	_ =	shalt  }
0x70: {  	_ =	shalt  }
0x71: {  	_ =	shalt  }
0x72: {  	_ =	shalt  }
0x73: {  	_ =	shalt  }
0x74: {  	_ =	shalt  }
0x75: {  	_ =	shalt  }
0x76: {  	_ =	shalt  }
0x77: {  	_ =	shalt  }
0x78: {  	_ =	shalt  }
0x79: {  	_ =	shalt  }
0x7a: {  	_ =	shalt  }
0x7b: {  	_ =	shalt  }
0x7c: {  	_ =	shalt  }
0x7d: {  	_ =	shalt  }
0x7e: {  	_ =	shalt  }
0x7f: {  	_ =	shalt  }
0x80: {  	_ =	shalt  }
0x81: {  	_ =	shalt  }
0x82: {  	_ =	shalt  }
0x83: {  	_ =	shalt  }
0x84: {  	_ =	shalt  }
0x85: {  	_ =	shalt  }
0x86: {  	_ =	shalt  }
0x87: {  	_ =	shalt  }
.Lfunc_end0:
.L_simem_size_0:
called_computation_lowered:
.L_overlay_start_0:
0x88: {  	s2 =	sld [smem:$0x3FD9]  }
0x89: {  	s3 =	sld [smem:$0x3FFE];
	_ =	sdelay $0x1  }
0x8a: {  	s1 =	srdreg.scid  }
0x8b: {  	s0 =	sand.u32 $0x1, s1  }
0x8c: {  	s17 =	sshll.u32 s0, $0xA;
	s2 =	sadd.s32 s3, s2  }
0x8d: {  	s2 =	sadd.s32 s2, s17  }
0x8e: {  	[smem:$0x3FC0] =	sst s2  }
0x8f: {  	_ = 	snop  }
0x90: {  	s2 =	sld [smem:$0x3FC9]  }
0x91: {  	s18 =	sld [smem:$0x3FC6]  }
0x92: {  	s4 =	sld [smem:$0x3FC5]  }
0x93: {  	s5 =	sld [smem:$0x3FD0];
	(tm) =	ssettm $0x1  }
0x94: {  	s6 =	sld [smem:$0x3FFB];
	_ =	sdelay $0x3  }
0x95: {  	_ =	strace s6  }
0x96: {  	s6 =	sld [smem:$0x3FFC];
	_ =	sdelay $0x3  }
0x97: {  	_ =	strace s6  }
0x98: {  	s6 =	sld [smem:$0x3FFD];
	_ =	sdelay $0x3  }
0x99: {  	_ =	strace s6  }
0x9a: {  	_ =	strace $0x8FFFFFFF  }
0x9b: {  	s19 =	sld [smem:$0x3FDB];
	_ =	sdelay $0x1  }
0x9c: {  	s7 =	simm.s32 $_scs_section_size  }
0x9d: {  	s8 =	simm.s32 $_size__tile_overlayer_lowered;
	s9 =	simm.s32 $_tile_overlayer_lowered  }
0x9e: {  	s22 =	simm.s32 $0x1BFF;
	s21 =	sshll.u32 s9, $0x1;
	s6 =	sadd.s32 s7, s19  }
0x9f: {  	s10 =	simm.s32 $0x0;
	s20 =	sshll.u32 s8, $0x1;
	s8 =	sadd.s32 s21, s6  }
0xa0: {  	[timem:s10], [sflag:s22] =	dma.local [hbm:s8], s20  }
0xa1: {  	_ =	swait.ge [sflag:s22], s20  }
0xa2: {  	s7 =	ssub.s32 $0x0, s20;
	[sflag:s22] =	ssyncset.done $0x0  }
0xa3: {  	[sflag:s22] =	ssyncadd.s32 s7;
	_ =	sdelay $0x1  }
0xa4: {  	s23 =	simm.s32 $0x1B8B  }
0xa5: {  	_ =	swait.ge [sflag:s23], $0x1  }
0xa6: {  	[sflag:s23] =	ssyncset.done $0x0  }
0xa7: {  	s25 =	simm.s32 $0x1B8E;
	s24 =	sld [smem:$0x3FFE];
	[sflag:s23] =	ssyncadd.s32 $0xFFFFFFFF  }
0xa8: {  	s26 =	simm.s32 $execute0_lowered;
	[smem:$0x3FD2] =	sst s25  }
0xa9: {  	s8 =	sshll.u32 s26, $0x1;
	_ =	strace $0x80000046;
	[dreg:$0x1] =	wrdreg $0xFFFFFFFF  }
0xaa: {  	s28 =	simm.s32 $_size_execute0_lowered;
	s6 =	sadd.s32 s6, s8;
	[dreg:$0x0] =	wrdreg $0x0  }
0xab: {  	s8 =	sshll.u32 s28, $0x1;
	[dreg:$0x2] =	wrdreg s6  }
0xac: {  	[dreg:$0x3] =	wrdreg s8  }
0xad: {  	[dreg:$0x4] =	wrdreg $0xC0  }
0xae: {  	_ =	task [dreg:s10], $0x5FFFF  }
0xaf: {  	[dreg:$0x1] =	wrdreg $0xFFFFFFFF  }
0xb0: {  	[dreg:$0x0] =	wrdreg $0x60  }
0xb1: {  	[dreg:$0x2] =	wrdreg s2  }
0xb2: {  	[dreg:$0x3] =	wrdreg s24  }
0xb3: {  	[dreg:$0x4] =	wrdreg s5  }
0xb4: {  	[dreg:$0x5] =	wrdreg s18  }
0xb5: {  	[dreg:$0x6] =	wrdreg s4  }
0xb6: {  	[dreg:$0x7] =	wrdreg $0x9  }
0xb7: {  	_ =	task.clear_ibuf [dreg:s10], $0x8FFFF;
	_ =	strace $0x90000046  }
0xb8: {  	s29 =	simm.s32 $0x9;
	_ =	strace $0x80000048  }
0xb9: {  	_ =	swait.ge [sflag:s29], $0x1  }
0xba: {  	[sflag:s29] =	ssyncadd.s32 $0xFFFFFFFF  }
0xbb: {  	_ =	strace $0x90000048  }
0xbc: {  	_ =	sfence  }
0xbd: {  	s30 =	sld [smem:$0x0];
	_ =	sdelay $0x2  }
0xbe: {  	s31 =	sshll.u32 s1, $0xD;
	s1 =	sshrl.u32 s1, $0x2  }
0xbf: {  	s3 =	sand.u32 $0x4000, s31;
	s1 =	sadd.s32 s1, s30  }
0xc0: {  	s0 =	sor.u32 s3, s0;
	s1 =	sshll.u32 s1, $0x11  }
0xc1: {  	s0 =	sor.u32 s1, s0  }
0xc2: {  	s0 =	sadd.s32 $0x8F2B, s0  }
0xc3: {  	[sflag:s0] =	ssyncadd.remote.s32 $0x1  }
0xc4: {  	_ =	sfence.sel $0xFFFF  }
0xc5: {  	[dreg:$0x0] =	wrdreg $0xFFFFFFFF;
	(pc) =	sbr.abs _section_cstart, $3  }
0xc6: {  	[dreg:$0x1] =	wrdreg $0xFFFFFFFF  }
0xc7: {  	_ =	task.clear_ibuf [dreg:s10], $0x2FFFF;
	_ =	strace $0x9FFFFFFF  }
0xc8: {  	(tm) =	ssettm $0x7FFFFFFF  }
0xc9: {  	_ =	shalt  }
tec
execute0_lowered:
.L_overlay_start_1:
0x0: {  	(tag) =	ssettag $0x1  }
0x1: {  	s6 =	rddreg [dreg:$0x0]  }
0x2: {  	s7 =	rddreg [dreg:$0x1]  }
0x3: {  	s10 =	rddreg [dreg:$0x2]  }
0x4: {  	s8 =	rddreg [dreg:$0x3]  }
0x5: {  	s1 =	srdreg.scid;
	s0 =	stileid.u32  }
0x6: {  	s9 =	rddreg [dreg:$0x4];
	s2 =	simm.s32 $0x0;
	s17 =	simm.s32 $0x3A80  }
0x7: {  	s18 =	simm.s32 $0x64;
	s19 =	simm.s32 $0x5A80;
	s20 =	simm.s32 $0x7380  }
0x8: {  	s21 =	simm.s32 $0x8C80;
	s22 =	simm.s32 $0xA580;
	s23 =	simm.s32 $0xBE80  }
0x9: {  	s24 =	simm.s32 $0x0;
	s11 =	sand.u32 $0x1, s1;
	s1 =	rddreg [dreg:$0x5]  }
0xa: {  	s3 =	sshll.u32 s0, $0x1;
	[smem:$0x7FF] =	sst s2;
	s4 =	sadd.s32 $0x189000, s7  }
0xb: {  	s5 =	sadd.s32 $0x8E00, s7;
	s12 =	sor.u32 s11, s3;
	_ =	strace $0x80000047  }
0xc: {  	s11 =	ssub.s32 $0x2, s11;
	s3 =	smul.u32 $0x340, s12;
	s14 =	sshll.u32 s12, $0xC  }
0xd: {  	s30 =	sshrl.u32 s11, $0x1;
	s15 =	sshll.u32 s12, $0x4;
	s31 =	sshll.u32 s12, $0xA  }
0xe: {  	s14 =	sadd.s32 s14, s7;
	s16 =	ssub.s32 s11, s30;
	s6 =	sadd.s32 s6, s15  }
0xf: {  	s10 =	sadd.s32 s10, s31;
	s13 =	sadd.s32 s3, s7;
	s3 =	sadd.s32 $0x24C600, s7  }
0x10: {  	s7 =	sadd.s32 s8, s15;
	s8 =	sadd.s32 s9, s15;
	s11 =	sadd.s32 $0xAE00, s14  }
0x11: {  	s12 =	smax.u32 s16, $0x1;
	s14 =	simm.s32 $0x80;
	s15 =	simm.s32 $0x1  }
0x12: {  	s16 =	simm.s32 $0x2080;
	s9 =	sadd.s32 $0x2600, s13;
	s13 =	simm.s32 $0x2  }
.LBB2_1:
0x13: {  	[tilespmem:s2], [sflag:$0x2] =	stream.linear.gather [hbm4b:s6+s2], $0x80, $0x38;
	[tilespmem:$0x13E80] =	vst v63  }
0x14: {  	_ =	swait.ge [sflag:s13], $0x80  }
0x15: {  	[sflag:s13] =	ssyncset.done $0x0  }
0x16: {  	[sflag:s13] =	ssyncadd.s32 $0xFFFFFF80  }
0x17: {  	[tilespmem:s14], [sflag:$0x1] =	stream.indirect.gather [hbm4b:s3+s14], $0x40, s2, s14, $0xb8;
	[tilespmem:$0x13E80] =	vst v63  }
0x18: {  	_ =	swait.ge [sflag:s15], $0x2000  }
0x19: {  	[sflag:s15] =	ssyncset.done $0x0  }
0x1a: {  	s26 =	simm.s32 $0x0;
	[sflag:s15] =	ssyncadd.s32 $0xFFFFE000  }
0x1b: {  	v0 =	vld [tilespmem:s26+$0x80];
	_ =	sdelay $0x3  }
0x1c: {  	s25 =	simm.s32 $0xBEA0  }
0x1d: {  	[tilespmem:s25+$0xFFFFFFE0] =	vst v0  }
0x1e: {  	v0 =	vld [tilespmem:s26+$0x90];
	_ =	sdelay $0x4  }
0x1f: {  	[tilespmem:s25+$0xFFFFFFF0] =	vst v0  }
0x20: {  	v0 =	vld [tilespmem:s26+$0xA0];
	_ =	sdelay $0x4  }
0x21: {  	[tilespmem:s25+$0x0] =	vst v0  }
0x22: {  	v0 =	vld [tilespmem:s26+$0xB0];
	_ =	sdelay $0x4  }
0x23: {  	s28 =	simm.s32 $0x200;
	s26 =	simm.s32 $0x40;
	[tilespmem:s25+$0x10] =	vst v0  }
.LBB2_2:
0x24: {  	p0 =	sne.s32 s28, $0x7F00;
	v0 =	vld [tilespmem:s26+$0x80];
	_ =	sdelay $0x3  }
0x25: {  	s25 =	sadd.s32 $0x100, s25  }
0x26: {  	[tilespmem:s25+$0xFFFFFFE0] =	vst v0  }
0x27: {  	v0 =	vld [tilespmem:s26+$0x90];
	_ =	sdelay $0x4  }
0x28: {  	[tilespmem:s25+$0xFFFFFFF0] =	vst v0  }
0x29: {  	v0 =	vld [tilespmem:s26+$0xA0];
	_ =	sdelay $0x4  }
0x2a: {  	[tilespmem:s25+$0x0] =	vst v0  }
0x2b: {  	v0 =	vld [tilespmem:s26+$0xB0]  }
.Ltmp0:
0x2c: {  	(pc) =	sbr.rel @p0 .LBB2_2-.Ltmp0, $2  }
0x2d: {  	_ =	sdelay $0x2  }
0x2e: {  	s26 =	sshra.s32 s28, $0x2;
	s28 =	sadd.s32 $0x100, s28;
	[tilespmem:s25+$0x10] =	vst v0  }
0x2f: {  	v0 =	vld [tilespmem:s26+$0x80];
	_ =	sdelay $0x3  }
0x30: {  	s25 =	sadd.s32 $0x100, s25  }
0x31: {  	[tilespmem:s25+$0xFFFFFFE0] =	vst v0  }
0x32: {  	v0 =	vld [tilespmem:s26+$0x90];
	_ =	sdelay $0x4  }
0x33: {  	[tilespmem:s25+$0xFFFFFFF0] =	vst v0  }
0x34: {  	v0 =	vld [tilespmem:s26+$0xA0];
	_ =	sdelay $0x4  }
0x35: {  	[tilespmem:s25+$0x0] =	vst v0  }
0x36: {  	v0 =	vld [tilespmem:s26+$0xB0];
	_ =	sdelay $0x4  }
0x37: {  	s30 =	simm.s32 $0x0;
	[tilespmem:s25+$0x10] =	vst v0  }
0x38: {  	[tilespmem:s30], [sflag:$0x2] =	stream.linear.gather [hbm4b:s7+s30], $0x80, $0x38;
	[tilespmem:$0x13E80] =	vst v63  }
0x39: {  	_ =	swait.ge [sflag:s13], $0x80  }
0x3a: {  	[sflag:s13] =	ssyncset.done $0x0  }
0x3b: {  	[sflag:s13] =	ssyncadd.s32 $0xFFFFFF80  }
0x3c: {  	[tilespmem:s14], [sflag:$0x1] =	stream.indirect.gather [hbm4b:s4+s14], $0x40, s30, s14, $0xb8;
	[tilespmem:$0x13E80] =	vst v63  }
0x3d: {  	_ =	swait.ge [sflag:s15], $0x2000  }
0x3e: {  	[sflag:s15] =	ssyncset.done $0x0  }
0x3f: {  	s31 =	simm.s32 $0x0;
	[sflag:s15] =	ssyncadd.s32 $0xFFFFE000  }
0x40: {  	v63 =	vld [tilespmem:s31+$0x80];
	_ =	sdelay $0x3  }
0x41: {  	s25 =	simm.s32 $0xBF30  }
0x42: {  	[tilespmem:s25+$0xFFFFFFD0] =	vst v63  }
0x43: {  	v0 =	vld [tilespmem:s31+$0x90];
	_ =	sdelay $0x4  }
0x44: {  	[tilespmem:s25+$0xFFFFFFE0] =	vst v0  }
0x45: {  	v0 =	vld [tilespmem:s31+$0xA0];
	_ =	sdelay $0x4  }
0x46: {  	[tilespmem:s25+$0xFFFFFFF0] =	vst v0  }
0x47: {  	v0 =	vld [tilespmem:s31+$0xB0];
	_ =	sdelay $0x4  }
0x48: {  	s28 =	simm.s32 $0x200;
	s26 =	simm.s32 $0x40;
	[tilespmem:s25+$0x0] =	vst v0  }
.LBB2_4:
0x49: {  	p0 =	sne.s32 s28, $0x7F00;
	v0 =	vld [tilespmem:s26+$0x80];
	_ =	sdelay $0x3  }
0x4a: {  	s25 =	sadd.s32 $0x100, s25  }
0x4b: {  	[tilespmem:s25+$0xFFFFFFD0] =	vst v0  }
0x4c: {  	v0 =	vld [tilespmem:s26+$0x90];
	_ =	sdelay $0x4  }
0x4d: {  	[tilespmem:s25+$0xFFFFFFE0] =	vst v0  }
0x4e: {  	v0 =	vld [tilespmem:s26+$0xA0];
	_ =	sdelay $0x4  }
0x4f: {  	[tilespmem:s25+$0xFFFFFFF0] =	vst v0  }
0x50: {  	v0 =	vld [tilespmem:s26+$0xB0]  }
.Ltmp1:
0x51: {  	(pc) =	sbr.rel @p0 .LBB2_4-.Ltmp1, $2  }
0x52: {  	_ =	sdelay $0x2  }
0x53: {  	s26 =	sshra.s32 s28, $0x2;
	s28 =	sadd.s32 $0x100, s28;
	[tilespmem:s25+$0x0] =	vst v0  }
0x54: {  	v0 =	vld [tilespmem:s26+$0x80];
	_ =	sdelay $0x3  }
0x55: {  	s25 =	sadd.s32 $0x100, s25  }
0x56: {  	[tilespmem:s25+$0xFFFFFFD0] =	vst v0  }
0x57: {  	v0 =	vld [tilespmem:s26+$0x90];
	_ =	sdelay $0x4  }
0x58: {  	[tilespmem:s25+$0xFFFFFFE0] =	vst v0  }
0x59: {  	v0 =	vld [tilespmem:s26+$0xA0];
	_ =	sdelay $0x4  }
0x5a: {  	[tilespmem:s25+$0xFFFFFFF0] =	vst v0  }
0x5b: {  	v0 =	vld [tilespmem:s26+$0xB0];
	_ =	sdelay $0x4  }
0x5c: {  	s30 =	simm.s32 $0x0;
	[tilespmem:s25+$0x0] =	vst v0  }
0x5d: {  	[tilespmem:s30], [sflag:$0x2] =	stream.linear.gather [hbm4b:s8+s30], $0x80, $0x38;
	[tilespmem:$0x13E80] =	vst v63  }
0x5e: {  	_ =	swait.ge [sflag:s13], $0x80  }
0x5f: {  	[sflag:s13] =	ssyncset.done $0x0  }
0x60: {  	[sflag:s13] =	ssyncadd.s32 $0xFFFFFF80  }
0x61: {  	[tilespmem:s14], [sflag:$0x1] =	stream.indirect.gather [hbm4b:s5+s14], $0x40, s30, s14, $0xb8;
	[tilespmem:$0x13E80] =	vst v63  }
0x62: {  	_ =	swait.ge [sflag:s15], $0x2000  }
0x63: {  	[sflag:s15] =	ssyncset.done $0x0  }
0x64: {  	s31 =	simm.s32 $0x0;
	[sflag:s15] =	ssyncadd.s32 $0xFFFFE000  }
0x65: {  	v63 =	vld [tilespmem:s31+$0x80];
	_ =	sdelay $0x3  }
0x66: {  	s25 =	simm.s32 $0xBF70  }
0x67: {  	[tilespmem:s25+$0xFFFFFFD0] =	vst v63  }
0x68: {  	v0 =	vld [tilespmem:s31+$0x90];
	_ =	sdelay $0x4  }
0x69: {  	[tilespmem:s25+$0xFFFFFFE0] =	vst v0  }
0x6a: {  	v0 =	vld [tilespmem:s31+$0xA0];
	_ =	sdelay $0x4  }
0x6b: {  	[tilespmem:s25+$0xFFFFFFF0] =	vst v0  }
0x6c: {  	v0 =	vld [tilespmem:s31+$0xB0];
	_ =	sdelay $0x4  }
0x6d: {  	s28 =	simm.s32 $0x200;
	s26 =	simm.s32 $0x40;
	[tilespmem:s25+$0x0] =	vst v0  }
.LBB2_6:
0x6e: {  	p0 =	sne.s32 s28, $0x7F00;
	v0 =	vld [tilespmem:s26+$0x80];
	_ =	sdelay $0x3  }
0x6f: {  	s25 =	sadd.s32 $0x100, s25  }
0x70: {  	[tilespmem:s25+$0xFFFFFFD0] =	vst v0  }
0x71: {  	v0 =	vld [tilespmem:s26+$0x90];
	_ =	sdelay $0x4  }
0x72: {  	[tilespmem:s25+$0xFFFFFFE0] =	vst v0  }
0x73: {  	v0 =	vld [tilespmem:s26+$0xA0];
	_ =	sdelay $0x4  }
0x74: {  	[tilespmem:s25+$0xFFFFFFF0] =	vst v0  }
0x75: {  	v0 =	vld [tilespmem:s26+$0xB0]  }
.Ltmp2:
0x76: {  	(pc) =	sbr.rel @p0 .LBB2_6-.Ltmp2, $2  }
0x77: {  	_ =	sdelay $0x2  }
0x78: {  	s26 =	sshra.s32 s28, $0x2;
	s28 =	sadd.s32 $0x100, s28;
	[tilespmem:s25+$0x0] =	vst v0  }
0x79: {  	v0 =	vld [tilespmem:s26+$0x80];
	_ =	sdelay $0x3  }
0x7a: {  	s25 =	sadd.s32 $0x100, s25  }
0x7b: {  	[tilespmem:s25+$0xFFFFFFD0] =	vst v0  }
0x7c: {  	v0 =	vld [tilespmem:s26+$0x90];
	_ =	sdelay $0x4  }
0x7d: {  	[tilespmem:s25+$0xFFFFFFE0] =	vst v0  }
0x7e: {  	v0 =	vld [tilespmem:s26+$0xA0];
	_ =	sdelay $0x4  }
0x7f: {  	[tilespmem:s25+$0xFFFFFFF0] =	vst v0  }
0x80: {  	v0 =	vld [tilespmem:s26+$0xB0];
	_ =	sdelay $0x4  }
0x81: {  	[tilespmem:s25+$0x0] =	vst v0;
	s25 =	simm.s32 $0x0  }
0x82: {  	[tilespmem:s16], [sflag:$0x2] =	stream.linear.gather [hbm4b:s9+s25], $0x1A00, $0x38;
	[tilespmem:$0x13E80] =	vst v63  }
0x83: {  	_ =	swait.ge [sflag:s13], $0x1A00  }
0x84: {  	[sflag:s13] =	ssyncset.done $0x0  }
0x85: {  	[sflag:s13] =	ssyncadd.s32 $0xFFFFE600  }
0x86: {  	[tilespmem:s17], [sflag:$0x2] =	stream.linear.gather [hbm4b:s10+s25], $0x2000, $0x38;
	[tilespmem:$0x13E80] =	vst v63  }
0x87: {  	_ =	swait.ge [sflag:s13], $0x2000  }
0x88: {  	[sflag:s13] =	ssyncset.done $0x0  }
0x89: {  	[sflag:s13] =	ssyncadd.s32 $0xFFFFE000  }
.LBB2_8:
0x8a: {  	s26 =	smul.u32 $0x680, s25;
	_ =	sdelay $0x1  }
0x8b: {  	s26 =	sshra.s32 s26, $0x2  }
0x8c: {  	s28 =	sadd.s32 $0x2080, s26  }
0x8d: {  	[tilespmem:s19], [sflag:$0x1] =	stream.indirect.gather [hbm4b:s4+s18], $0x40, s28, s18, $0xb8;
	[tilespmem:$0x13E80] =	vst v63  }
0x8e: {  	s28 =	sadd.s32 $0x20E8, s26  }
0x8f: {  	[tilespmem:s20], [sflag:$0x1] =	stream.indirect.gather [hbm4b:s4+s18], $0x40, s28, s18, $0xb8;
	[tilespmem:$0x13E80] =	vst v63  }
0x90: {  	s28 =	sadd.s32 $0x2150, s26  }
0x91: {  	[tilespmem:s21], [sflag:$0x1] =	stream.indirect.gather [hbm4b:s4+s18], $0x40, s28, s18, $0xb8;
	[tilespmem:$0x13E80] =	vst v63  }
0x92: {  	s26 =	sadd.s32 $0x21B8, s26  }
0x93: {  	[tilespmem:s22], [sflag:$0x1] =	stream.indirect.gather [hbm4b:s4+s18], $0x40, s26, s18, $0xb8;
	[tilespmem:$0x13E80] =	vst v63  }
0x94: {  	_ =	swait.ge [sflag:s15], $0x1900  }
0x95: {  	[sflag:s15] =	ssyncset.done $0x0  }
0x96: {  	[sflag:s15] =	ssyncadd.s32 $0xFFFFE700  }
0x97: {  	_ =	swait.ge [sflag:s15], $0x1900  }
0x98: {  	[sflag:s15] =	ssyncset.done $0x0  }
0x99: {  	[sflag:s15] =	ssyncadd.s32 $0xFFFFE700  }
0x9a: {  	_ =	swait.ge [sflag:s15], $0x1900  }
0x9b: {  	[sflag:s15] =	ssyncset.done $0x0  }
0x9c: {  	[sflag:s15] =	ssyncadd.s32 $0xFFFFE700  }
0x9d: {  	_ =	swait.ge [sflag:s15], $0x1900  }
0x9e: {  	[sflag:s15] =	ssyncset.done $0x0  }
0x9f: {  	s28 =	simm.s32 $0x0;
	s26 =	sshll.u32 s25, $0x3;
	[sflag:s15] =	ssyncadd.s32 $0xFFFFE700  }
.LBB2_9:
0xa0: {  	s29 =	sadd.s32 s26, s28  }
0xa1: {  	s29 =	sshll.u32 s29, $0x8  }
0xa2: {  	s30 =	sshra.s32 s29, $0x2  }
0xa3: {  	v3 =	vld [tilespmem:s30+$0x3A80]  }
0xa4: {  	s31 =	smul.u32 $0x3200, s28;
	v2 =	vld [tilespmem:s30+$0x3A90]  }
0xa5: {  	v1 =	vld [tilespmem:s30+$0x3AA0]  }
0xa6: {  	s31 =	sshra.s32 s31, $0x2;
	v0 =	vld [tilespmem:s30+$0x3AB0]  }
0xa7: {  	v4 =	vld [tilespmem:s31+$0x5A80]  }
0xa8: {  	v7 =	vld [tilespmem:s31+$0x5A90]  }
0xa9: {  	v10 =	vld [tilespmem:s31+$0x5AA0]  }
0xaa: {  	v11 =	vld [tilespmem:s31+$0x5AB0]  }
0xab: {  	v12 =	vld [tilespmem:s31+$0x5AC0]  }
0xac: {  	v13 =	vld [tilespmem:s31+$0x5AD0]  }
0xad: {  	v14 =	vld [tilespmem:s31+$0x5AE0]  }
0xae: {  	v15 =	vld [tilespmem:s31+$0x5AF0]  }
0xaf: {  	v17 =	vld [tilespmem:s31+$0x5B00]  }
0xb0: {  	v18 =	vld [tilespmem:s31+$0x5B10]  }
0xb1: {  	v23 =	vld [tilespmem:s31+$0x5B20]  }
0xb2: {  	v24 =	vld [tilespmem:s31+$0x5B30]  }
0xb3: {  	v25 =	vld [tilespmem:s31+$0x5B40]  }
0xb4: {  	v26 =	vld [tilespmem:s31+$0x5B50]  }
0xb5: {  	v27 =	vld [tilespmem:s31+$0x5B60]  }
0xb6: {  	v28 =	vld [tilespmem:s31+$0x5B70]  }
0xb7: {  	v30 =	vld [tilespmem:s31+$0x5B80]  }
0xb8: {  	v32 =	vld [tilespmem:s31+$0x5B90]  }
0xb9: {  	v34 =	vld [tilespmem:s31+$0x5BA0]  }
0xba: {  	v35 =	vld [tilespmem:s31+$0x5BB0]  }
0xbb: {  	v36 =	vld [tilespmem:s31+$0x5BC0]  }
0xbc: {  	v37 =	vld [tilespmem:s31+$0x5BD0]  }
0xbd: {  	v38 =	vld [tilespmem:s31+$0x5BE0]  }
0xbe: {  	v39 =	vld [tilespmem:s31+$0x5BF0]  }
0xbf: {  	v42 =	vld [tilespmem:s31+$0x5C00]  }
0xc0: {  	v45 =	vld [tilespmem:s31+$0x5C10]  }
0xc1: {  	v50 =	vld [tilespmem:s31+$0x5C20]  }
0xc2: {  	v51 =	vld [tilespmem:s31+$0x5C30]  }
0xc3: {  	v52 =	vld [tilespmem:s31+$0x5C40]  }
0xc4: {  	v53 =	vld [tilespmem:s31+$0x5C50]  }
0xc5: {  	v54 =	vld [tilespmem:s31+$0x5C60]  }
0xc6: {  	v55 =	vld [tilespmem:s31+$0x5C70]  }
0xc7: {  	v56 =	vld [tilespmem:s31+$0x5C80]  }
0xc8: {  	v57 =	vld [tilespmem:s31+$0x5C90]  }
0xc9: {  	v58 =	vld [tilespmem:s31+$0x5CA0]  }
0xca: {  	v48 =	vld [tilespmem:s31+$0x5CB0]  }
0xcb: {  	v49 =	vld [tilespmem:s31+$0x5CC0]  }
0xcc: {  	v47 =	vld [tilespmem:s31+$0x5CD0]  }
0xcd: {  	v43 =	vld [tilespmem:s31+$0x5CE0]  }
0xce: {  	v46 =	vld [tilespmem:s31+$0x5CF0]  }
0xcf: {  	v41 =	vld [tilespmem:s31+$0x5D00]  }
0xd0: {  	v44 =	vld [tilespmem:s31+$0x5D10]  }
0xd1: {  	v40 =	vld [tilespmem:s31+$0x5D20]  }
0xd2: {  	v33 =	vld [tilespmem:s31+$0x5D30]  }
0xd3: {  	v31 =	vld [tilespmem:s31+$0x5D40]  }
0xd4: {  	v29 =	vld [tilespmem:s31+$0x5D50]  }
0xd5: {  	v21 =	vld [tilespmem:s31+$0x5D60]  }
0xd6: {  	v22 =	vld [tilespmem:s31+$0x5D70]  }
0xd7: {  	v19 =	vld [tilespmem:s31+$0x5D80]  }
0xd8: {  	v63 =	vld [tilespmem:s31+$0x5DE0]  }
0xd9: {  	v20 =	vld [tilespmem:s31+$0x5D90]  }
0xda: {  	v16 =	vld [tilespmem:s31+$0x5DA0];
	v59 =	vbroadcast v3, $0x0  }
0xdb: {  	v9 =	vld [tilespmem:s31+$0x5DB0];
	v5 =	vadd.f32 v2, v3;
	v62 =	vbroadcast v3, $0x1  }
0xdc: {  	v6 =	vld [tilespmem:s31+$0x5DC0];
	v60 =	vmul.f32 v4, v59  }
0xdd: {  	[tilespmem:$0x1FFE0] =	vst v63;
	v5 =	vadd.f32 v1, v5;
	v61 =	vmul.f32 v7, v59;
	v7 =	vld [tilespmem:s31+$0x5DF0];
	v63 =	vmul.f32 v12, v62  }
0xde: {  	v12 =	vld [tilespmem:s31+$0x5E10];
	v10 =	vmul.f32 v10, v59;
	v59 =	vmul.f32 v11, v59  }
0xdf: {  	v4 =	vmul.f32 v13, v62;
	v13 =	vld [tilespmem:s31+$0x5E20];
	v5 =	vadd.f32 v0, v5;
	v60 =	vadd.f32 $0.0e+00, v60  }
0xe0: {  	[tilespmem:$0x1FFF0] =	vst v0;
	v11 =	vld [tilespmem:s31+$0x5E40];
	v0 =	vmul.f32 v14, v62;
	v62 =	vmul.f32 v15, v62;
	v59 =	vadd.f32 $0.0e+00, v59  }
0xe1: {  	v61 =	vadd.f32 $0.0e+00, v61;
	v14 =	vld [tilespmem:s31+$0x5E50];
	v60 =	vadd.f32 v63, v60;
	v63 =	vbroadcast v3, $0x2  }
0xe2: {  	v10 =	vadd.f32 $0.0e+00, v10;
	v15 =	vld [tilespmem:s31+$0x5E60];
	v59 =	vadd.f32 v62, v59;
	v62 =	vbroadcast v3, $0x4  }
0xe3: {  	(xrf2) =	vadd.scan.msk.f32 $0xffff, v5;
	v5 =	vld [tilespmem:s31+$0x5DD0];
	v61 =	vadd.f32 v4, v61;
	v17 =	vmul.f32 v17, v63;
	v18 =	vmul.f32 v18, v63  }
0xe4: {  	v4 =	vld [tilespmem:s31+$0x5E30];
	v0 =	vadd.f32 v0, v10;
	v10 =	vmul.f32 v23, v63;
	v23 =	vbroadcast v3, $0x3  }
0xe5: {  	v24 =	vmul.f32 v24, v63;
	v63 =	vmul.f32 v30, v62;
	v30 =	vld [tilespmem:s31+$0x5EF0]  }
0xe6: {  	v60 =	vadd.f32 v17, v60;
	v17 =	vld [tilespmem:s31+$0x5E70]  }
0xe7: {  	v61 =	vadd.f32 v18, v61;
	v25 =	vmul.f32 v25, v23;
	v18 =	vld [tilespmem:s31+$0x5E80]  }
0xe8: {  	v10 =	vadd.f32 v10, v0;
	v59 =	vadd.f32 v24, v59;
	v24 =	vmul.f32 v26, v23;
	v0 =	vld [tilespmem:s31+$0x5E90]  }
0xe9: {  	v26 =	vld [tilespmem:s31+$0x5EA0];
	v60 =	vadd.f32 v25, v60;
	v25 =	vmul.f32 v27, v23  }
0xea: {  	v23 =	vmul.f32 v28, v23;
	v28 =	vadd.f32 v24, v61;
	v61 =	vmul.f32 v32, v62;
	v24 =	vld [tilespmem:s31+$0x5EB0]  }
0xeb: {  	v32 =	vmul.f32 v34, v62;
	v34 =	vbroadcast v3, $0x5;
	v27 =	vld [tilespmem:s31+$0x5ED0];
	v10 =	vadd.f32 v25, v10  }
0xec: {  	v35 =	vmul.f32 v35, v62;
	v25 =	vld [tilespmem:s31+$0x5EC0];
	v23 =	vadd.f32 v23, v59;
	v59 =	vadd.f32 v63, v60  }
0xed: {  	v60 =	vadd.f32 v61, v28;
	v62 =	vmul.f32 v36, v34;
	v28 =	vld [tilespmem:s31+$0x5EE0];
	v63 =	vmul.f32 v37, v34  }
0xee: {  	v36 =	vbroadcast v3, $0x6;
	v61 =	vmul.f32 v38, v34;
	v37 =	vld [tilespmem:s31+$0x5F20];
	v10 =	vadd.f32 v32, v10  }
0xef: {  	v38 =	vld [tilespmem:s31+$0x5F50];
	v23 =	vadd.f32 v35, v23;
	v59 =	vadd.f32 v62, v59;
	v62 =	vmul.f32 v39, v34  }
0xf0: {  	v8, _, _ =	vpop (xrf2);
	v32 =	vld [tilespmem:s31+$0x5F00];
	v39 =	vadd.f32 v63, v60;
	v63 =	vmul.f32 v42, v36;
	v60 =	vmul.f32 v45, v36  }
0xf1: {  	v34 =	vld [tilespmem:s31+$0x5F10];
	v8 =	vbroadcast v8, $0xF;
	v10 =	vadd.f32 v61, v10;
	v61 =	vmul.f32 v50, v36  }
0xf2: {  	v35 =	vld [tilespmem:s31+$0x5F30];
	v50 =	vbroadcast v3, $0x7;
	v23 =	vadd.f32 v62, v23;
	v59 =	vadd.f32 v63, v59  }
0xf3: {  	v45 =	vld [tilespmem:s31+$0x5F80];
	v62 =	vmul.f32 v51, v36;
	v42 =	vadd.f32 v60, v39;
	v51 =	vbroadcast v3, $0x8  }
0xf4: {  	v36 =	vld [tilespmem:s31+$0x5F40];
	(erf) = vrcp.f32 v8;
	v10 =	vadd.f32 v61, v10;
	v63 =	vmul.f32 v52, v50  }
0xf5: {  	v39 =	vld [tilespmem:s31+$0x5F60];
	v23 =	vadd.f32 v62, v23;
	v60 =	vmul.f32 v53, v50;
	v61 =	vmul.f32 v54, v50  }
0xf6: {  	v8 =	vld [tilespmem:s31+$0x5E00];
	v50 =	vmul.f32 v55, v50;
	v62 =	vmul.f32 v56, v51;
	v52 =	vadd.f32 v63, v59  }
0xf7: {  	v53 =	vld [tilespmem:s31+$0x6040];
	v54 =	vadd.f32 v60, v42;
	v63 =	vmul.f32 v57, v51;
	v10 =	vadd.f32 v61, v10  }
0xf8: {  	v42 =	vld [tilespmem:s31+$0x5F70];
	v60 =	vmul.f32 v58, v51;
	v57 =	vbroadcast v3, $0x9;
	v23 =	vadd.f32 v50, v23  }
0xf9: {  	v51 =	vmul.f32 v48, v51;
	v48 =	vld [tilespmem:s31+$0x5F90];
	v59 =	vbroadcast v3, $0xA;
	v61 =	vadd.f32 v62, v52  }
0xfa: {  	v62 =	vadd.f32 v63, v54;
	v63 =	vmul.f32 v49, v57;
	v49 =	vld [tilespmem:s31+$0x5FA0];
	v58 =	vmul.f32 v47, v57  }
0xfb: {  	v10 =	vadd.f32 v60, v10;
	v47 =	vld [tilespmem:s31+$0x5FB0];
	v60 =	vmul.f32 v43, v57;
	v46 =	vmul.f32 v46, v57  }
0xfc: {  	v23 =	vadd.f32 v51, v23;
	v43 =	vld [tilespmem:s31+$0x5FC0];
	v44 =	vmul.f32 v44, v59;
	v57 =	vmul.f32 v33, v59  }
0xfd: {  	v33 =	vld [tilespmem:s31+$0x5FF0];
	v50 =	vadd.f32 v63, v61;
	v51 =	vadd.f32 v58, v62;
	v61 =	vmul.f32 v41, v59  }
0xfe: {  	v52 =	vld [tilespmem:s31+$0x6010];
	v10 =	vadd.f32 v60, v10;
	v62 =	vmul.f32 v40, v59;
	v63 =	vbroadcast v3, $0xB  }
0xff: {  	v41 =	vld [tilespmem:s31+$0x5FD0];
	v23 =	vadd.f32 v46, v23;
	v59 =	vbroadcast v3, $0xC;
	v60 =	vbroadcast v3, $0xD  }
0x100: {  	v40 =	vld [tilespmem:s31+$0x5FE0];
	v56 =	vadd.f32 v61, v50;
	v58 =	vmul.f32 v31, v63;
	v29 =	vmul.f32 v29, v63  }
0x101: {  	v44 =	vadd.f32 v44, v51;
	v31 =	vld [tilespmem:s31+$0x6000];
	v21 =	vmul.f32 v21, v63;
	v22 =	vmul.f32 v22, v63  }
0x102: {  	v10 =	vadd.f32 v62, v10;
	v51 =	vld [tilespmem:s31+$0x6020];
	v19 =	vmul.f32 v19, v59;
	v20 =	vmul.f32 v20, v59  }
0x103: {  	v23 =	vadd.f32 v57, v23;
	v16 =	vmul.f32 v16, v59;
	v9 =	vmul.f32 v9, v59;
	v62 =	vld [tilespmem:$0x1FFE0]  }
0x104: {  	v6 =	vmul.f32 v6, v60;
	v5 =	vmul.f32 v5, v60;
	v29 =	vadd.f32 v29, v44;
	v44 =	vld [tilespmem:s31+$0x6030]  }
0x105: {  	v61 =	vbroadcast v3, $0xE;
	v3 =	vbroadcast v3, $0xF;
	v22 =	vadd.f32 v22, v23;
	v23 =	vld [tilespmem:s31+$0x6050]  }
0x106: {  	v7 =	vmul.f32 v7, v60;
	v50 =	vbroadcast v2, $0x0;
	v10 =	vadd.f32 v21, v10;
	v21 =	vld [tilespmem:s31+$0x6080]  }
0x107: {  	v57 =	vbroadcast v2, $0x1;
	v54 =	vmul.f32 v15, v3;
	v15 =	vld [tilespmem:s31+$0x60F0]  }
0x108: {  	v8 =	vmul.f32 v8, v61;
	v55 =	vmul.f32 v18, v50;
	v18 =	vld [tilespmem:s31+$0x6100]  }
0x109: {  	v46 =	vadd.f32 v58, v56;
	v12 =	vmul.f32 v12, v61;
	v59 =	vmul.f32 v24, v50;
	v24 =	vld [tilespmem:s31+$0x6140]  }
0x10a: {  	v13 =	vmul.f32 v13, v61;
	v56 =	vmul.f32 v26, v50;
	v26 =	vld [tilespmem:s31+$0x6150]  }
0x10b: {  	v4 =	vmul.f32 v4, v61;
	v61 =	vmul.f32 v25, v57;
	v25 =	vld [tilespmem:s31+$0x61D0];
	v19 =	vadd.f32 v19, v46  }
0x10c: {  	v0 =	vmul.f32 v0, v50;
	v20 =	vadd.f32 v20, v29;
	v10 =	vadd.f32 v16, v10;
	v16 =	vld [tilespmem:s31+$0x6060]  }
0x10d: {  	v9 =	vadd.f32 v9, v22;
	v29 =	vld [tilespmem:s31+$0x6070];
	v6 =	vadd.f32 v6, v19;
	v19 =	vmul.f32 v62, v60  }
0x10e: {  	v22 =	vmul.f32 v11, v3;
	v11 =	vld [tilespmem:s31+$0x60C0];
	v46 =	vmul.f32 v14, v3  }
0x10f: {  	v3 =	vmul.f32 v17, v3;
	v14 =	vld [tilespmem:s31+$0x60E0];
	v7 =	vadd.f32 v7, v9;
	v10 =	vadd.f32 v19, v10  }
0x110: {  	v17 =	vmul.f32 v30, v57;
	v30 =	vld [tilespmem:s31+$0x6190];
	v5 =	vadd.f32 v5, v20;
	v6 =	vadd.f32 v8, v6  }
0x111: {  	v28 =	vmul.f32 v28, v57;
	v20 =	vld [tilespmem:s31+$0x6090];
	v4 =	vadd.f32 v4, v7;
	v63 =	vadd.f32 v13, v10  }
0x112: {  	v62 =	vmul.f32 v27, v57;
	v19 =	vld [tilespmem:s31+$0x60A0];
	v5 =	vadd.f32 v12, v5;
	v6 =	vadd.f32 v22, v6  }
0x113: {  	v8 =	vld [tilespmem:s31+$0x60B0];
	v3 =	vadd.f32 v3, v4;
	v9 =	vadd.f32 v54, v63;
	v63 =	vbroadcast v2, $0x2  }
0x114: {  	v7 =	vld [tilespmem:s31+$0x6110];
	v5 =	vadd.f32 v46, v5;
	v58 =	vadd.f32 v55, v6;
	v55 =	vbroadcast v2, $0x3  }
0x115: {  	v12 =	vld [tilespmem:s31+$0x6170];
	v3 =	vadd.f32 v59, v3;
	v59 =	vbroadcast v2, $0x4;
	v46 =	vmul.f32 v32, v63  }
0x116: {  	v13 =	vld [tilespmem:s31+$0x60D0];
	v0 =	vadd.f32 v0, v5;
	v50 =	vmul.f32 v34, v63;
	v54 =	vmul.f32 v37, v63  }
0x117: {  	v10 =	vld [tilespmem:s31+$0x6120];
	v60 =	vadd.f32 v56, v9;
	v56 =	vmul.f32 v35, v63;
	v57 =	vmul.f32 v36, v55  }
0x118: {  	v22 =	vld [tilespmem:s31+$0x6130];
	v4 =	vadd.f32 v61, v58;
	v58 =	vmul.f32 v38, v55;
	v27 =	vmul.f32 v42, v55  }
0x119: {  	v6 =	vld [tilespmem:s31+$0x6410];
	v0 =	vadd.f32 v62, v0;
	v61 =	vmul.f32 v45, v59;
	v62 =	vmul.f32 v48, v59  }
0x11a: {  	v3 =	vadd.f32 v17, v3;
	v17 =	vld [tilespmem:s31+$0x6180];
	v63 =	vmul.f32 v49, v59;
	v42 =	vbroadcast v2, $0x5  }
0x11b: {  	v32 =	vld [tilespmem:s31+$0x61A0];
	v45 =	vmul.f32 v47, v59;
	v48 =	vbroadcast v2, $0x6  }
0x11c: {  	v35 =	vld [tilespmem:s31+$0x61B0];
	v5 =	vadd.f32 v28, v60;
	v4 =	vadd.f32 v46, v4;
	v60 =	vmul.f32 v39, v55  }
0x11d: {  	v37 =	vld [tilespmem:s31+$0x61C0];
	v0 =	vadd.f32 v50, v0;
	v46 =	vmul.f32 v43, v42;
	v47 =	vmul.f32 v41, v42  }
0x11e: {  	v38 =	vld [tilespmem:s31+$0x61F0];
	v3 =	vadd.f32 v56, v3;
	v49 =	vmul.f32 v40, v42;
	v33 =	vmul.f32 v33, v42  }
0x11f: {  	v36 =	vld [tilespmem:s31+$0x6200];
	v50 =	vmul.f32 v31, v48;
	v55 =	vmul.f32 v51, v48;
	v5 =	vadd.f32 v54, v5  }
0x120: {  	v34 =	vld [tilespmem:s31+$0x6250];
	v56 =	vbroadcast v2, $0x7;
	v4 =	vadd.f32 v57, v4;
	v0 =	vadd.f32 v58, v0  }
0x121: {  	v9 =	vld [tilespmem:s31+$0x6300];
	v3 =	vadd.f32 v27, v3;
	v54 =	vmul.f32 v52, v48;
	v57 =	vmul.f32 v44, v48  }
0x122: {  	v28 =	vld [tilespmem:s31+$0x6160];
	v58 =	vmul.f32 v53, v56;
	v59 =	vmul.f32 v23, v56;
	v5 =	vadd.f32 v60, v5  }
0x123: {  	v39 =	vld [tilespmem:s31+$0x6210];
	v4 =	vadd.f32 v61, v4;
	v0 =	vadd.f32 v62, v0;
	v60 =	vbroadcast v2, $0x8  }
0x124: {  	v41 =	vld [tilespmem:s31+$0x6220];
	v3 =	vadd.f32 v45, v3;
	v61 =	vmul.f32 v16, v56;
	v62 =	vmul.f32 v29, v56  }
0x125: {  	v31 =	vld [tilespmem:s31+$0x6240];
	v45 =	vbroadcast v2, $0x9;
	v5 =	vadd.f32 v63, v5;
	v63 =	vmul.f32 v21, v60  }
0x126: {  	v40 =	vld [tilespmem:s31+$0x6280];
	v4 =	vadd.f32 v46, v4;
	v20 =	vmul.f32 v20, v60;
	v44 =	vmul.f32 v19, v60  }
0x127: {  	v43 =	vld [tilespmem:s31+$0x63A0];
	v0 =	vadd.f32 v47, v0;
	v46 =	vmul.f32 v8, v60;
	v47 =	vmul.f32 v11, v45  }
0x128: {  	v27 =	vld [tilespmem:s31+$0x61E0];
	v3 =	vadd.f32 v33, v3;
	v48 =	vmul.f32 v13, v45;
	v51 =	vmul.f32 v15, v45  }
0x129: {  	v29 =	vld [tilespmem:s31+$0x6260];
	v5 =	vadd.f32 v49, v5;
	v4 =	vadd.f32 v50, v4;
	v49 =	vbroadcast v2, $0xA  }
0x12a: {  	v16 =	vld [tilespmem:s31+$0x62B0];
	v0 =	vadd.f32 v54, v0;
	v50 =	vmul.f32 v14, v45;
	v54 =	vbroadcast v2, $0xB  }
0x12b: {  	v33 =	vld [tilespmem:s31+$0x6230];
	v3 =	vadd.f32 v57, v3;
	v52 =	vmul.f32 v18, v49;
	v7 =	vmul.f32 v7, v49  }
0x12c: {  	v21 =	vld [tilespmem:s31+$0x6270];
	v5 =	vadd.f32 v55, v5;
	v53 =	vmul.f32 v10, v49;
	v55 =	vmul.f32 v22, v49  }
0x12d: {  	v8 =	vld [tilespmem:s31+$0x6290];
	v4 =	vadd.f32 v58, v4;
	v56 =	vmul.f32 v24, v54;
	v58 =	vbroadcast v2, $0xC  }
0x12e: {  	v11 =	vld [tilespmem:s31+$0x62A0];
	v0 =	vadd.f32 v59, v0;
	v57 =	vmul.f32 v26, v54;
	v59 =	vmul.f32 v28, v54  }
0x12f: {  	v15 =	vld [tilespmem:s31+$0x62C0];
	v3 =	vadd.f32 v62, v3;
	v10 =	vmul.f32 v12, v54;
	v60 =	vmul.f32 v17, v58  }
0x130: {  	v19 =	vld [tilespmem:s31+$0x62E0];
	v5 =	vadd.f32 v61, v5;
	v61 =	vmul.f32 v30, v58;
	v62 =	vmul.f32 v32, v58  }
0x131: {  	v13 =	vld [tilespmem:s31+$0x62F0];
	v4 =	vadd.f32 v63, v4;
	v63 =	vbroadcast v2, $0xD;
	v28 =	vmul.f32 v35, v58  }
0x132: {  	v14 =	vld [tilespmem:s31+$0x6360];
	v35 =	vbroadcast v2, $0xE;
	v2 =	vbroadcast v2, $0xF  }
0x133: {  	v45 =	vld [tilespmem:s31+$0x63B0];
	v58 =	vbroadcast v1, $0x2;
	v30 =	vmul.f32 v37, v63  }
0x134: {  	v18 =	vld [tilespmem:s31+$0x62D0];
	v0 =	vadd.f32 v20, v0;
	v32 =	vmul.f32 v25, v63;
	v37 =	vmul.f32 v27, v63  }
0x135: {  	v22 =	vld [tilespmem:s31+$0x6330];
	v3 =	vadd.f32 v46, v3;
	v23 =	vmul.f32 v38, v63;
	v38 =	vmul.f32 v36, v35  }
0x136: {  	v12 =	vld [tilespmem:s31+$0x6320];
	v5 =	vadd.f32 v44, v5;
	v39 =	vmul.f32 v39, v35;
	v42 =	vmul.f32 v41, v35  }
0x137: {  	v24 =	vld [tilespmem:s31+$0x6340];
	v4 =	vadd.f32 v47, v4;
	v44 =	vmul.f32 v33, v35;
	v46 =	vmul.f32 v31, v2  }
0x138: {  	v26 =	vld [tilespmem:s31+$0x6380];
	v0 =	vadd.f32 v48, v0;
	v47 =	vmul.f32 v34, v2;
	v48 =	vbroadcast v1, $0x0  }
0x139: {  	v49 =	vld [tilespmem:s31+$0x63D0];
	v3 =	vadd.f32 v51, v3;
	v63 =	vbroadcast v1, $0x3;
	v35 =	vbroadcast v1, $0x4  }
0x13a: {  	v20 =	vld [tilespmem:s31+$0x6310];
	v22 =	vmul.f32 v22, v58;
	v5 =	vadd.f32 v50, v5;
	v50 =	vmul.f32 v29, v2  }
0x13b: {  	v25 =	vld [tilespmem:s31+$0x6370];
	v4 =	vadd.f32 v52, v4;
	v2 =	vmul.f32 v21, v2;
	v51 =	vmul.f32 v40, v48  }
0x13c: {  	v33 =	vld [tilespmem:s31+$0x6480];
	v0 =	vadd.f32 v7, v0;
	v8 =	vmul.f32 v8, v48;
	v52 =	vmul.f32 v11, v48  }
0x13d: {  	v36 =	vld [tilespmem:s31+$0x6490];
	v3 =	vadd.f32 v55, v3;
	v55 =	vmul.f32 v16, v48;
	v27 =	vmul.f32 v24, v63  }
0x13e: {  	v41 =	vld [tilespmem:s31+$0x64B0];
	v5 =	vadd.f32 v53, v5;
	v4 =	vadd.f32 v56, v4;
	v53 =	vbroadcast v1, $0x1  }
0x13f: {  	v31 =	vld [tilespmem:s31+$0x6560];
	v45 =	vmul.f32 v45, v35;
	v0 =	vadd.f32 v57, v0;
	v3 =	vadd.f32 v10, v3  }
0x140: {  	v21 =	vld [tilespmem:s31+$0x63E0];
	v5 =	vadd.f32 v59, v5;
	v4 =	vadd.f32 v60, v4;
	v56 =	vmul.f32 v15, v53  }
0x141: {  	v10 =	vld [tilespmem:s31+$0x6350];
	v0 =	vadd.f32 v61, v0;
	v57 =	vmul.f32 v18, v53;
	v59 =	vmul.f32 v19, v53  }
0x142: {  	v29 =	vld [tilespmem:s31+$0x63F0];
	v3 =	vadd.f32 v28, v3;
	v11 =	vmul.f32 v13, v53;
	v60 =	vmul.f32 v9, v58  }
0x143: {  	v28 =	vld [tilespmem:s31+$0x6390];
	v61 =	vmul.f32 v20, v58;
	v5 =	vadd.f32 v62, v5;
	v4 =	vadd.f32 v30, v4  }
0x144: {  	v16 =	vld [tilespmem:s31+$0x6430];
	v0 =	vadd.f32 v32, v0;
	v62 =	vmul.f32 v12, v58;
	v12 =	vmul.f32 v25, v63  }
0x145: {  	v48 =	vld [tilespmem:s31+$0x64E0];
	v3 =	vadd.f32 v23, v3;
	v58 =	vbroadcast v1, $0x7;
	v25 =	vbroadcast v1, $0xD  }
0x146: {  	v19 =	vld [tilespmem:s31+$0x6460];
	v34 =	vmul.f32 v10, v63;
	v5 =	vadd.f32 v37, v5;
	v4 =	vadd.f32 v38, v4  }
0x147: {  	v23 =	vld [tilespmem:s31+$0x63C0];
	v0 =	vadd.f32 v39, v0;
	v3 =	vadd.f32 v44, v3;
	v37 =	vmul.f32 v14, v63  }
0x148: {  	v13 =	vld [tilespmem:s31+$0x6440];
	v39 =	vmul.f32 v26, v35;
	v40 =	vmul.f32 v28, v35;
	v5 =	vadd.f32 v42, v5  }
0x149: {  	v38 =	vld [tilespmem:s31+$0x64A0];
	v28 =	vbroadcast v1, $0x8;
	v4 =	vadd.f32 v46, v4;
	v0 =	vadd.f32 v47, v0  }
0x14a: {  	v32 =	vld [tilespmem:s31+$0x6400];
	v2 =	vadd.f32 v2, v3;
	v42 =	vmul.f32 v43, v35;
	v43 =	vbroadcast v1, $0x5  }
0x14b: {  	v18 =	vld [tilespmem:s31+$0x6450];
	v30 =	vmul.f32 v19, v58;
	v5 =	vadd.f32 v50, v5;
	v54 =	vadd.f32 v51, v4  }
0x14c: {  	v44 =	vld [tilespmem:s31+$0x64C0];
	v0 =	vadd.f32 v8, v0;
	v47 =	vmul.f32 v23, v43;
	v49 =	vmul.f32 v49, v43  }
0x14d: {  	v63 =	vld [tilespmem:s31+$0x6540];
	v2 =	vadd.f32 v55, v2;
	v50 =	vbroadcast v1, $0x6;
	v53 =	vmul.f32 v29, v43  }
0x14e: {  	v46 =	vld [tilespmem:s31+$0x64D0];
	v35 =	vmul.f32 v38, v28;
	v38 =	vmul.f32 v41, v28;
	v5 =	vadd.f32 v52, v5  }
0x14f: {  	v8 =	vld [tilespmem:s31+$0x6420];
	v3 =	vadd.f32 v56, v54;
	v52 =	vmul.f32 v21, v43;
	v55 =	vmul.f32 v32, v50  }
0x150: {  	v51 =	vld [tilespmem:s31+$0x64F0];
	v0 =	vadd.f32 v57, v0;
	v6 =	vmul.f32 v6, v50;
	v32 =	vmul.f32 v33, v28  }
0x151: {  	v2 =	vadd.f32 v11, v2;
	v11 =	vld [tilespmem:s31+$0x6470];
	v33 =	vmul.f32 v36, v28;
	v36 =	vbroadcast v1, $0x9  }
0x152: {  	v29 =	vld [tilespmem:s31+$0x6550];
	v43 =	vbroadcast v1, $0xA;
	v5 =	vadd.f32 v59, v5;
	v3 =	vadd.f32 v60, v3  }
0x153: {  	v54 =	vld [tilespmem:s31+$0x6500];
	v0 =	vadd.f32 v61, v0;
	v2 =	vadd.f32 v22, v2;
	v60 =	vmul.f32 v16, v50  }
0x154: {  	v61 =	vld [tilespmem:s31+$0x6530];
	v57 =	vmul.f32 v8, v50;
	v5 =	vadd.f32 v62, v5;
	v3 =	vadd.f32 v27, v3  }
0x155: {  	v56 =	vld [tilespmem:s31+$0x6510];
	v0 =	vadd.f32 v34, v0;
	v2 =	vadd.f32 v12, v2;
	v62 =	vmul.f32 v13, v58  }
0x156: {  	v59 =	vld [tilespmem:s31+$0x6520];
	v27 =	vmul.f32 v18, v58;
	v8 =	vmul.f32 v11, v58;
	v5 =	vadd.f32 v37, v5  }
0x157: {  	v41 =	vld [tilespmem:s31+$0x65A0];
	v3 =	vadd.f32 v39, v3;
	v0 =	vadd.f32 v40, v0;
	v40 =	vmul.f32 v44, v36  }
0x158: {  	v50 =	vld [tilespmem:s31+$0x65D0];
	v2 =	vadd.f32 v45, v2;
	v45 =	vmul.f32 v48, v36;
	v48 =	vmul.f32 v54, v43  }
0x159: {  	v37 =	vld [tilespmem:s31+$0x6580];
	v54 =	vmul.f32 v61, v43;
	v5 =	vadd.f32 v42, v5;
	v3 =	vadd.f32 v47, v3  }
0x15a: {  	v34 =	vld [tilespmem:s31+$0x6570];
	v0 =	vadd.f32 v49, v0;
	v42 =	vmul.f32 v46, v36;
	v46 =	vmul.f32 v51, v36  }
0x15b: {  	v39 =	vld [tilespmem:s31+$0x6590];
	v2 =	vadd.f32 v53, v2;
	v49 =	vmul.f32 v56, v43;
	v51 =	vmul.f32 v59, v43  }
0x15c: {  	v44 =	vld [tilespmem:s31+$0x65B0];
	v59 =	vbroadcast v1, $0xC;
	v5 =	vadd.f32 v52, v5;
	v3 =	vadd.f32 v55, v3  }
0x15d: {  	v47 =	vld [tilespmem:s31+$0x65C0];
	v0 =	vadd.f32 v6, v0;
	v2 =	vadd.f32 v60, v2;
	v52 =	vbroadcast v1, $0xB  }
0x15e: {  	v53 =	vld [tilespmem:s31+$0x65E0];
	v24 =	vmul.f32 v41, v59;
	v21 =	vmul.f32 v37, v59;
	v5 =	vadd.f32 v57, v5  }
0x15f: {  	v26 =	vld [tilespmem:s31+$0x6640];
	v3 =	vadd.f32 v62, v3;
	v56 =	vmul.f32 v63, v52;
	v58 =	vmul.f32 v29, v52  }
0x160: {  	v55 =	vld [tilespmem:s31+$0x65F0];
	v0 =	vadd.f32 v27, v0;
	v61 =	vmul.f32 v31, v52;
	v62 =	vmul.f32 v34, v52  }
0x161: {  	v60 =	vld [tilespmem:s31+$0x6610];
	v2 =	vadd.f32 v8, v2;
	v8 =	vmul.f32 v39, v59;
	v27 =	vmul.f32 v44, v59  }
0x162: {  	v23 =	vld [tilespmem:s31+$0x6630];
	v31 =	vmul.f32 v50, v25;
	v29 =	vmul.f32 v47, v25;
	v5 =	vadd.f32 v30, v5  }
0x163: {  	v57 =	vld [tilespmem:s31+$0x6600];
	v34 =	vmul.f32 v53, v25;
	v3 =	vadd.f32 v32, v3;
	v0 =	vadd.f32 v33, v0  }
0x164: {  	v63 =	vld [tilespmem:s31+$0x6620];
	v2 =	vadd.f32 v38, v2;
	v32 =	vbroadcast v1, $0xE;
	v1 =	vbroadcast v1, $0xF  }
0x165: {  	v28 =	vld [tilespmem:s31+$0x6650];
	v9 =	vmul.f32 v55, v25;
	v5 =	vadd.f32 v35, v5;
	v3 =	vadd.f32 v40, v3  }
0x166: {  	v30 =	vld [tilespmem:s31+$0x6660];
	v0 =	vadd.f32 v42, v0;
	v2 =	vadd.f32 v46, v2;
	v37 =	vmul.f32 v60, v32  }
0x167: {  	v33 =	vld [tilespmem:s31+$0x6670];
	v41 =	vmul.f32 v23, v32;
	v43 =	vmul.f32 v26, v1;
	v3 =	vadd.f32 v48, v3  }
0x168: {  	v46 =	vld [tilespmem:$0x1FFF0];
	v36 =	vmul.f32 v57, v32;
	v5 =	vadd.f32 v45, v5;
	v0 =	vadd.f32 v49, v0  }
0x169: {  	v39 =	vmul.f32 v63, v32;
	v2 =	vadd.f32 v54, v2;
	v3 =	vadd.f32 v56, v3  }
0x16a: {  	v35 =	vld [tilespmem:s31+$0x6680];
	v45 =	vmul.f32 v28, v1;
	v5 =	vadd.f32 v51, v5;
	v0 =	vadd.f32 v58, v0  }
0x16b: {  	v38 =	vld [tilespmem:s31+$0x6690];
	v49 =	vmul.f32 v30, v1;
	v2 =	vadd.f32 v62, v2;
	v3 =	vadd.f32 v21, v3  }
0x16c: {  	v40 =	vld [tilespmem:s31+$0x66A0];
	v1 =	vmul.f32 v33, v1;
	v5 =	vadd.f32 v61, v5;
	v0 =	vadd.f32 v8, v0  }
0x16d: {  	v44 =	vld [tilespmem:s31+$0x66C0];
	v47 =	vbroadcast v46, $0x0;
	v2 =	vadd.f32 v27, v2;
	v3 =	vadd.f32 v29, v3  }
0x16e: {  	v42 =	vld [tilespmem:s31+$0x66B0];
	v52 =	vbroadcast v46, $0x1;
	v5 =	vadd.f32 v24, v5;
	v0 =	vadd.f32 v31, v0  }
0x16f: {  	v48 =	vld [tilespmem:s31+$0x66D0];
	v51 =	vmul.f32 v35, v47;
	v2 =	vadd.f32 v9, v2;
	v3 =	vadd.f32 v36, v3  }
0x170: {  	v53 =	vld [tilespmem:s31+$0x66F0];
	v54 =	vmul.f32 v38, v47;
	v5 =	vadd.f32 v34, v5;
	v0 =	vadd.f32 v37, v0  }
0x171: {  	v50 =	vld [tilespmem:s31+$0x66E0];
	v55 =	vmul.f32 v40, v47;
	v2 =	vadd.f32 v41, v2;
	v3 =	vadd.f32 v43, v3  }
0x172: {  	v56 =	vmul.f32 v44, v52;
	v5 =	vadd.f32 v39, v5;
	v0 =	vadd.f32 v45, v0  }
0x173: {  	v57 =	vmul.f32 v42, v47;
	v1 =	vadd.f32 v1, v2;
	v3 =	vadd.f32 v51, v3  }
0x174: {  	v58 =	vmul.f32 v48, v52;
	v5 =	vadd.f32 v49, v5;
	v0 =	vadd.f32 v54, v0  }
0x175: {  	v61 =	vmul.f32 v53, v52;
	v1 =	vadd.f32 v57, v1;
	v3 =	vadd.f32 v56, v3  }
0x176: {  	v60 =	vpop (erf);
	v59 =	vmul.f32 v50, v52;
	v4 =	vadd.f32 v55, v5;
	v0 =	vadd.f32 v58, v0  }
0x177: {  	p0 =	sne.s32 s28, $0x7;
	v1 =	vadd.f32 v61, v1;
	v3 =	vmul.f32 v3, v60  }
.Ltmp3:
0x178: {  	s29 =	sand.u32 $0x3FFFFF00, s29;
	v4 =	vadd.f32 v59, v4;
	v0 =	vmul.f32 v0, v60;
	(pc) =	sbr.rel @p0 .LBB2_9-.Ltmp3, $4  }
0x179: {  	v63 =	vmul.f32 v1, v60;
	[tilespmem:s29+$0xBEC0] =	vst v3  }
0x17a: {  	v62 =	vmul.f32 v4, v60;
	[tilespmem:s29+$0xBED0] =	vst v0  }
0x17b: {  	[tilespmem:s29+$0xBEF0] =	vst v63  }
0x17c: {  	s28 =	sadd.s32 $0x1, s28;
	[tilespmem:s29+$0xBEE0] =	vst v62  }
0x17d: {  	s25 =	sadd.s32 $0x1, s25  }
0x17e: {  	p0 =	sne.s32 s25, $0x10  }
.Ltmp4:
0x17f: {  	_ = 	snop;
	(pc) =	sbr.rel @p0 .LBB2_8-.Ltmp4, $1  }
0x180: {  	_ =	sdelay $0x3  }
0x181: {  	s24 =	sadd.s32 $0x1, s24  }
0x182: {  	p0 =	sne.s32 s24, s12  }
.Ltmp5:
0x183: {  	_ = 	snop;
	(pc) =	sbr.rel @p0 .LBB2_1-.Ltmp5, $4  }
0x184: {  	[hbm4b:s11+s2] =	stream.linear.scatter [tilespmem:s23], [sflag:$0x2], $0x8000, $0x38;
	[tilespmem:$0x13E80] =	vst v63  }
0x185: {  	_ =	swait.ge [sflag:s13], $0x8000  }
0x186: {  	[sflag:s13] =	ssyncset.done $0x0  }
0x187: {  	[sflag:s13] =	ssyncadd.s32 $0xFFFF8000  }
0x188: {  	_ =	sfence.sel $0x180000  }
0x189: {  	[bflag:$0x0] =	sbarrier.arrive $0xFFFF  }
0x18a: {  	p0 =	sne.s32 s0, $0x0;
	_ =	strace $0x90000047  }
0x18b: {  	s0 =	sadd.s32 @!p0 $0x100000, s1;
	[bflag:$0x2] =	sbarrier.arrive $0xFFFF  }
0x18c: {  	[sflag:s0] =	ssyncadd.tile.s32 @!p0 $0x1;
	_ =	shalt  }
.Lfunc_end2:
_tile_overlayer_lowered:
.L_overlay_start_2:
0x18d: {  	(tag) =	ssettag $0x2  }
0x18e: {  	s0 =	rddreg [dreg:$0x0];
	s2 =	stileid.u32  }
0x18f: {  	s1 =	rddreg [dreg:$0x1];
	p0 =	sne.s32 s2, $0x0  }
0x190: {  	s3 =	rddreg [dreg:$0x2];
	[bflag:$0x3] =	sbarrier.arrive $0xFFFF;
	s2 =	simm.s32 @!p0 $0x1C02  }
0x191: {  	[timem:s3], [sflag:s2] =	dma.local @!p0 [hbm:s0], s1  }
0x192: {  	s0 =	simm.s32 @!p0 $0x2  }
0x193: {  	_ =	swait.ge @!p0 [sflag:s0], s1  }
0x194: {  	s1 =	ssub.s32 @!p0 $0x0, s1;
	[sflag:s0] =	ssyncset.done @!p0 $0x0  }
0x195: {  	[sflag:s0] =	ssyncadd.s32 @!p0 s1  }
0x196: {  	[bflag:$0x3] =	sbarrier.arrive $0xFFFF  }
0x197: {  	_ =	shalt  }

</sc_bundles>
